<compile_context>
chip_gen: v7x
topology: tpu7x:2x2x1
jax: 0.10.2.dev20260603
libtpu: 0.0.44.dev20260713+nightly
codegen_flags: <defaults>
</compile_context>

<pallas_src>
import functools

import jax
import jax.numpy as jnp
from jax import lax
from jax.experimental import pallas as pl
from jax.experimental.pallas import tpu as pltpu
from jax.experimental.pallas import tpu_sc as plsc

N, D, S, H, O, B = 100000, 128, 16, 128, 128, 1024
F = B + B * S
NW = 32
BW = B // NW
RW = F // NW
CH = 16
NCH = RW // CH
HZ = CH * S // 2


def _mm_body(x_ref, w_ref, o_ref):
    o_ref[...] = jnp.dot(x_ref[...], w_ref[...],
                         preferred_element_type=jnp.float32
                         ).astype(o_ref.dtype)


def _dense_z(x, w1b):
    bm = 2000
    return pl.pallas_call(
        _mm_body,
        grid=(N // bm,),
        in_specs=[
            pl.BlockSpec((bm, D), lambda i: (i, 0)),
            pl.BlockSpec((D, H), lambda i: (0, 0)),
        ],
        out_specs=pl.BlockSpec((bm, H), lambda i: (i, 0)),
        out_shape=jax.ShapeDtypeStruct((N, H), jnp.bfloat16),
    )(x, w1b)


NQ = 5
NZ = F * S // NW // 128
ZRING = 4


def _sc_gather_max(batch32, neigh32, x, z):
    mesh = plsc.VectorSubcoreMesh(core_axis_name="c", subcore_axis_name="s")

    @functools.partial(
        pl.kernel,
        out_type=[
            jax.ShapeDtypeStruct((F, D), jnp.float32),
            jax.ShapeDtypeStruct((F, H), jnp.bfloat16),
        ],
        mesh=mesh,
        compiler_params=pltpu.CompilerParams(use_tc_tiling_on_sc=False),
        scratch_types=[
            pltpu.VMEM((BW,), jnp.int32),
            pltpu.VMEM((BW, S), jnp.int32),
            pltpu.VMEM((NQ, 128), jnp.int32),
            pltpu.VMEM((NQ * 128, S), jnp.int32),
            pltpu.VMEM((NZ, 128), jnp.int32),
            pltpu.VMEM((128, D), jnp.float32),
            pltpu.VMEM((128, D), jnp.float32),
            pltpu.VMEM((128, H), jnp.bfloat16),
            pltpu.VMEM((128, H), jnp.bfloat16),
            pltpu.VMEM((128, H), jnp.bfloat16),
            pltpu.VMEM((128, H), jnp.bfloat16),
            pltpu.VMEM((CH, H), jnp.bfloat16),
            pltpu.VMEM((CH, H), jnp.bfloat16),
            pltpu.SemaphoreType.DMA,
            pltpu.SemaphoreType.DMA,
            pltpu.SemaphoreType.DMA,
            pltpu.SemaphoreType.DMA,
            pltpu.SemaphoreType.DMA,
            pltpu.SemaphoreType.DMA,
            pltpu.SemaphoreType.DMA,
            pltpu.SemaphoreType.DMA,
            pltpu.SemaphoreType.DMA,
            pltpu.SemaphoreType.DMA,
            pltpu.SemaphoreType.DMA,
        ],
    )
    def k(batch_hbm, neigh_hbm, x_hbm, z_hbm, xf_hbm, mf_hbm,
          bs_v, nb_v, fs_v, nf_v, zi_v, xr0_v, xr1_v,
          zr0_v, zr1_v, zr2_v, zr3_v, mc0_v, mc1_v,
          sng, sxg0, sxg1, sxw0, sxw1, szg0, szg1, szg2, szg3, smw0, smw1):
        w = lax.axis_index("c") * 16 + lax.axis_index("s")
        xr = [xr0_v, xr1_v]
        zr = [zr0_v, zr1_v, zr2_v, zr3_v]
        mc = [mc0_v, mc1_v]
        sxg, sxw = [sxg0, sxg1], [sxw0, sxw1]
        szg, smw = [szg0, szg1, szg2, szg3], [smw0, smw1]
        nbase = B + w * (BW * S)

        pltpu.sync_copy(batch_hbm.at[pl.ds(w * BW, BW)], bs_v)
        pltpu.async_copy(neigh_hbm.at[bs_v], nb_v, sng).wait()

        fs_v[0, pl.ds(0, 16)] = bs_v[pl.ds(0, 16)]
        fs_v[0, pl.ds(16, 16)] = bs_v[pl.ds(16, 16)]
        for q in range(2, 8):
            fs_v[NQ - 1, pl.ds(q * 16, 16)] = jnp.zeros((16,), jnp.int32)

        def flat_nb(r, carry):
            e = BW + r * S
            fs_v[e // 128, pl.ds(e % 128, 16)] = nb_v[r, :]
            return carry
        lax.fori_loop(0, BW, flat_nb, 0)

        nf_cps = [
            pltpu.async_copy(neigh_hbm.at[fs_v.at[q]],
                             nf_v.at[pl.ds(q * 128, 128)], sng)
            for q in range(NQ)
        ]
        xg_cps = [pltpu.async_copy(x_hbm.at[fs_v.at[q]], xr[q % 2], sxg[q % 2])
                  for q in range(2)]

        for cp in nf_cps:
            cp.wait()

        def flat_nf(r, carry):
            zi_v[r // 8, pl.ds((r % 8) * S, S)] = nf_v[r, :]
            return carry
        lax.fori_loop(0, RW, flat_nf, 0)

        for b in range(ZRING):
            pltpu.async_copy(z_hbm.at[zi_v.at[b]], zr[b], szg[b])

        xg_cps[0].wait()
        pltpu.async_copy(xr[0].at[pl.ds(0, BW)],
                         xf_hbm.at[pl.ds(w * BW, BW)], sxw0)
        pltpu.async_copy(xr[0].at[pl.ds(BW, 96)],
                         xf_hbm.at[pl.ds(nbase, 96)], sxw0)
        xg_cps[1].wait()
        pltpu.async_copy(xr[1], xf_hbm.at[pl.ds(nbase + 96, 128)], sxw1)
        for q in range(2, NQ):
            s = q % 2
            pltpu.make_async_copy(x_hbm.at[pl.ds(0, 128)], xr[s], sxw[s]).wait()
            pltpu.async_copy(x_hbm.at[fs_v.at[q]], xr[s], sxg[s]).wait()
            rows = 128 if q < NQ - 1 else BW
            pltpu.async_copy(xr[s].at[pl.ds(0, rows)],
                             xf_hbm.at[pl.ds(nbase + q * 128 - BW, rows)],
                             sxw[s])

        def seg_chunk(zc, mcb, half):
            def seg(i, carry):
                accs0 = tuple(zc[i * S, pl.ds(h * 32, 32)] for h in range(4))

                def red(r, accs):
                    return tuple(
                        jnp.maximum(a, zc[i * S + r, pl.ds(h * 32, 32)])
                        for h, a in enumerate(accs))
                accs = lax.fori_loop(1, S, red, accs0)
                for h in range(4):
                    mcb[half * 8 + i, pl.ds(h * 32, 32)] = accs[h]
                return carry
            lax.fori_loop(0, 8, seg, 0)

        def zloop(t, carry):
            for b in range(ZRING):
                j = 4 * t + b
                m = b // 2
                pltpu.make_async_copy(z_hbm.at[pl.ds(0, 128)], zr[b],
                                      szg[b]).wait()
                if b % 2 == 0:
                    @pl.when(t > 0)
                    def _():
                        pltpu.make_async_copy(mf_hbm.at[pl.ds(0, CH)],
                                              mc[m], smw[m]).wait()
                seg_chunk(zr[b], mc[m], b % 2)
                if b % 2 == 1:
                    c = 2 * t + m
                    row0 = jnp.where(c < 2, w * BW + c * CH,
                                     nbase + (c - 2) * CH)
                    pltpu.async_copy(mc[m], mf_hbm.at[pl.ds(row0, CH)], smw[m])

                @pl.when(t < NZ // ZRING - 1)
                def _():
                    pltpu.async_copy(z_hbm.at[zi_v.at[j + ZRING]],
                                     zr[b], szg[b])
            return carry
        lax.fori_loop(0, NZ // ZRING, zloop, 0)

        pltpu.make_async_copy(mf_hbm.at[pl.ds(0, CH)], mc0_v, smw0).wait()
        pltpu.make_async_copy(mf_hbm.at[pl.ds(0, CH)], mc1_v, smw1).wait()
        pltpu.make_async_copy(x_hbm.at[pl.ds(0, BW)],
                              xr0_v.at[pl.ds(0, BW)], sxw0).wait()
        pltpu.make_async_copy(x_hbm.at[pl.ds(0, 128)], xr1_v, sxw1).wait()

    return k(batch32, neigh32, x, z)


def _tail_body(xfb_ref, xfn_ref, mfb_ref, mfn_ref, w1a_ref, b1_ref,
               w2a_ref, w2b_ref, b2_ref, wo_ref, bo_ref, o_ref):
    h1b = jnp.maximum(
        jnp.dot(xfb_ref[...], w1a_ref[...], preferred_element_type=jnp.float32)
        + b1_ref[...] + mfb_ref[...].astype(jnp.float32), 0.0)
    h1n = jnp.maximum(
        jnp.dot(xfn_ref[...], w1a_ref[...], preferred_element_type=jnp.float32)
        + b1_ref[...] + mfn_ref[...].astype(jnp.float32), 0.0)
    u = jnp.dot(h1b, w2a_ref[...],
                preferred_element_type=jnp.float32) + b2_ref[...]
    wn = jnp.dot(h1n, w2b_ref[...], preferred_element_type=jnp.float32)
    m2 = jnp.max(wn.reshape(-1, S, H), axis=1)
    o_ref[...] = jnp.dot(u + m2, wo_ref[...],
                         preferred_element_type=jnp.float32) + bo_ref[...]


def _dense_tail(xf, mf, w1a, b1, w2a, w2b, b2, wo, bo):
    bm = 64
    full = lambda i: (0, 0)
    return pl.pallas_call(
        _tail_body,
        grid=(B // bm,),
        in_specs=[
            pl.BlockSpec((bm, D), lambda i: (i, 0)),
            pl.BlockSpec((bm * S, D), lambda i: (i + 1, 0)),
            pl.BlockSpec((bm, H), lambda i: (i, 0)),
            pl.BlockSpec((bm * S, H), lambda i: (i + 1, 0)),
            pl.BlockSpec((D, H), full),
            pl.BlockSpec((1, H), full),
            pl.BlockSpec((H, H), full),
            pl.BlockSpec((H, H), full),
            pl.BlockSpec((1, H), full),
            pl.BlockSpec((H, O), full),
            pl.BlockSpec((1, O), full),
        ],
        out_specs=pl.BlockSpec((bm, O), lambda i: (i, 0)),
        out_shape=jax.ShapeDtypeStruct((B, O), jnp.float32),
    )(xf, xf, mf, mf, w1a, b1.reshape(1, H), w2a, w2b, b2.reshape(1, H),
      wo, bo.reshape(1, O))


@jax.jit
def kernel(x, neigh, batch, W1, b1, W2, b2, Wo, bo):
    neigh32 = neigh.astype(jnp.int32)
    batch32 = batch.astype(jnp.int32)
    w1a, w1b = W1[:D], W1[D:]
    w2a, w2b = W2[:H], W2[H:]

    z = _dense_z(x, w1b)
    xf, mf = _sc_gather_max(batch32, neigh32, x, z)
    return _dense_tail(xf, mf, w1a, b1, w2a, w2b, b2, Wo, bo)

# --- scband reference (transcript-rebuilt; emitter-appended) ---
"""Pipeline reference for scband-graph-sage-90142773609390 (READ-ONLY COPY).

The authoritative reference and input builder live on the scoring server;
editing this copy changes nothing except your own understanding.
"""

import jax, jax.numpy as jnp
import numpy as np

N, D, S, H, O, B = 100000, 128, 16, 128, 128, 1024
N_LAYERS = 2

def setup_inputs(seed: int = 0) -> dict:
    key = jax.random.key(seed)
    ks = jax.random.split(key, 8)
    x = jax.random.normal(ks[0], (N, D), dtype=jnp.float32)
    neigh = jax.random.randint(ks[1], (N, S), 0, N, dtype=jnp.int64)
    batch = jax.random.randint(ks[2], (B,), 0, N, dtype=jnp.int64)
    W1 = jax.random.normal(ks[3], (2 * D, H), dtype=jnp.float32) * 0.05
    b1 = jnp.zeros((H,), dtype=jnp.float32)
    W2 = jax.random.normal(ks[4], (2 * H, H), dtype=jnp.float32) * 0.05
    b2 = jnp.zeros((H,), dtype=jnp.float32)
    Wo = jax.random.normal(ks[5], (H, O), dtype=jnp.float32) * 0.05
    bo = jnp.zeros((O,), dtype=jnp.float32)
    return {"x": x, "neigh": neigh, "batch": batch, "W1": W1, "b1": b1, "W2": W2, "b2": b2, "Wo": Wo, "bo": bo}

def reference(x, neigh, batch, W1, b1, W2, b2, Wo, bo):
    # Faithful GraphSAGE recursion. The torch graph object g is represented by
    # x (node features) and neigh (pre-sampled one-hop neighbor table, `samples`
    # neighbors per node, standing in for g.get_one_hop + torch.randint sampling).
    # All nodes have neighbors, so the non_leafs/zeros path is the identity.
    # Dropout is eval-mode identity.
    Ws = [(W1, b1), (W2, b2)]

    def fwd(batch_idx, layer):
        if layer == 0:
            return jnp.take(x, batch_idx, axis=0)
        src_x = fwd(batch_idx, layer - 1)
        dst_idx = jnp.take(neigh, batch_idx, axis=0).reshape(-1)
        n_batch, n_idx = jnp.unique(dst_idx, return_inverse=True, size=dst_idx.shape[0], fill_value=0)
        neigh_x = jnp.take(fwd(n_batch, layer - 1), n_idx, axis=0)
        neigh_x = neigh_x.reshape(batch_idx.shape[0], S, neigh_x.shape[-1])
        all_feats = jnp.concatenate([jnp.repeat(src_x[:, None, :], S, axis=1), neigh_x], axis=-1)
        W, b = Ws[layer - 1]
        val = all_feats @ W + b
        out = jnp.max(val, axis=1)
        if layer == N_LAYERS:
            return out @ Wo + bo
        return jax.nn.relu(out)

    return fwd(batch, N_LAYERS)

if __name__ == "__main__":
    import jax
    _d = setup_inputs()
    print(jax.jit(kernel)(*tuple(_d.values())))

</pallas_src>

<mosaic_0001>
#map = affine_map<(d0, d1) -> (0)>
#map1 = affine_map<(d0, d1) -> (0, 0)>
module attributes {stable_mosaic.version = 14 : i64} {
  func.func @k(%arg0: i32, %arg1: i32, %arg2: memref<1024xi32, #tpu.memory_space<hbm>>, %arg3: memref<100000x16xi32, #tpu.memory_space<hbm>>, %arg4: memref<100000x128xf32, #tpu.memory_space<hbm>>, %arg5: memref<100000x128xbf16, #tpu.memory_space<hbm>>, %arg6: memref<17408x128xf32, #tpu.memory_space<hbm>>, %arg7: memref<17408x128xbf16, #tpu.memory_space<hbm>>, %arg8: memref<32xi32, #tpu.memory_space<vmem>>, %arg9: memref<32x16xi32, #tpu.memory_space<vmem>>, %arg10: memref<5x128xi32, #tpu.memory_space<vmem>>, %arg11: memref<640x16xi32, #tpu.memory_space<vmem>>, %arg12: memref<68x128xi32, #tpu.memory_space<vmem>>, %arg13: memref<128x128xf32, #tpu.memory_space<vmem>>, %arg14: memref<128x128xf32, #tpu.memory_space<vmem>>, %arg15: memref<128x128xbf16, #tpu.memory_space<vmem>>, %arg16: memref<128x128xbf16, #tpu.memory_space<vmem>>, %arg17: memref<128x128xbf16, #tpu.memory_space<vmem>>, %arg18: memref<128x128xbf16, #tpu.memory_space<vmem>>, %arg19: memref<16x128xbf16, #tpu.memory_space<vmem>>, %arg20: memref<16x128xbf16, #tpu.memory_space<vmem>>, %arg21: memref<!tpu.dma_semaphore, #tpu.memory_space<semaphore_mem>>, %arg22: memref<!tpu.dma_semaphore, #tpu.memory_space<semaphore_mem>>, %arg23: memref<!tpu.dma_semaphore, #tpu.memory_space<semaphore_mem>>, %arg24: memref<!tpu.dma_semaphore, #tpu.memory_space<semaphore_mem>>, %arg25: memref<!tpu.dma_semaphore, #tpu.memory_space<semaphore_mem>>, %arg26: memref<!tpu.dma_semaphore, #tpu.memory_space<semaphore_mem>>, %arg27: memref<!tpu.dma_semaphore, #tpu.memory_space<semaphore_mem>>, %arg28: memref<!tpu.dma_semaphore, #tpu.memory_space<semaphore_mem>>, %arg29: memref<!tpu.dma_semaphore, #tpu.memory_space<semaphore_mem>>, %arg30: memref<!tpu.dma_semaphore, #tpu.memory_space<semaphore_mem>>, %arg31: memref<!tpu.dma_semaphore, #tpu.memory_space<semaphore_mem>>) attributes {dimension_semantics = [#tpu.dimension_semantics<core_parallel>, #tpu.dimension_semantics<subcore_parallel>], iteration_bounds = array<i64: 2, 16>, scalar_prefetch = 0 : i64, scratch_operands = 24 : i64, tpu.core_type = #tpu.core_type<sc_vector_subcore>, window_params = [{transform_indices = #map}, {transform_indices = #map1}, {transform_indices = #map1}, {transform_indices = #map1}, {transform_indices = #map1}, {transform_indices = #map1}]} {
    %mul3A = arith.constant 16 : i32
    %mul3A_0 = arith.muli %arg0, %mul3A : i32
    %add3A = arith.addi %mul3A_0, %arg1 : i32
    %mul3A_1 = arith.constant 512 : i32
    %mul3A_2 = arith.muli %add3A, %mul3A_1 : i32
    %add3A_3 = arith.constant 1024 : i32
    %add3A_4 = arith.addi %add3A_3, %mul3A_2 : i32
    %mul3A_5 = arith.constant 32 : i32
    %mul3A_6 = arith.muli %add3A, %mul3A_5 : i32
    "tpu.region"() ({
      %run_scoped3A = tpu.sem_alloc : memref<!tpu.dma_semaphore, #tpu.memory_space<semaphore_mem>>
      %dma_start3A_406 = tpu.memref_slice %arg2[%mul3A_6] : memref<1024xi32, #tpu.memory_space<hbm>> -> memref<32xi32, #tpu.memory_space<hbm>>
      %dma_start3A_407 = tpu.memref_slice %arg2[%mul3A_6] : memref<1024xi32, #tpu.memory_space<hbm>> -> memref<32xi32, #tpu.memory_space<hbm>>
      tpu.enqueue_dma source(%dma_start3A_407 : memref<32xi32, #tpu.memory_space<hbm>>) target(%arg8 : memref<32xi32, #tpu.memory_space<vmem>>) target_semaphore(%run_scoped3A : memref<!tpu.dma_semaphore, #tpu.memory_space<semaphore_mem>>)
      %dma_wait3A_408 = tpu.memref_slice %arg2[%mul3A_6] : memref<1024xi32, #tpu.memory_space<hbm>> -> memref<32xi32, #tpu.memory_space<hbm>>
      %dma_wait3A_409 = tpu.memref_slice %arg2[%mul3A_6] : memref<1024xi32, #tpu.memory_space<hbm>> -> memref<32xi32, #tpu.memory_space<hbm>>
      tpu.wait_dma2 semaphore(%run_scoped3A : memref<!tpu.dma_semaphore, #tpu.memory_space<semaphore_mem>>) src(%dma_wait3A_409 : memref<32xi32, #tpu.memory_space<hbm>>) dst(%arg8 : memref<32xi32, #tpu.memory_space<vmem>>)
      tpu.yield
    }) : () -> ()
    %dma_start3A = arith.constant 0 : i32
    %dma_start3A_7 = arith.constant 0 : i32
    %dma_start3A_8 = tpu.memref_slice %arg3[%dma_start3A, %dma_start3A_7] : memref<100000x16xi32, #tpu.memory_space<hbm>> -> memref<100000x16xi32, #tpu.memory_space<hbm>>
    tpu.enqueue_indirect_dma source(%dma_start3A_8 : memref<100000x16xi32, #tpu.memory_space<hbm>>) target(%arg9 : memref<32x16xi32, #tpu.memory_space<vmem>>) offsets(%arg8 : memref<32xi32, #tpu.memory_space<vmem>>) semaphore(%arg21 : memref<!tpu.dma_semaphore, #tpu.memory_space<semaphore_mem>>)
    %dma_wait3A = arith.constant 0 : i32
    %dma_wait3A_9 = arith.constant 0 : i32
    %dma_wait3A_10 = tpu.memref_slice %arg3[%dma_wait3A, %dma_wait3A_9] : memref<100000x16xi32, #tpu.memory_space<hbm>> -> memref<100000x16xi32, #tpu.memory_space<hbm>>
    tpu.wait_indirect_dma semaphore(%arg21 : memref<!tpu.dma_semaphore, #tpu.memory_space<semaphore_mem>>) src(%dma_wait3A_10 : memref<100000x16xi32, #tpu.memory_space<hbm>>) dst(%arg9 : memref<32x16xi32, #tpu.memory_space<vmem>>)
    %get3A = arith.constant 0 : index
    %get3A_11 = tpu.vector_load %arg8[%get3A] {strides = array<i32>} : memref<32xi32, #tpu.memory_space<vmem>>, vector<16xi32>,
    %get3A_12 = vector.shape_cast %get3A_11 : vector<16xi32> to vector<16xi32>
    %swap3A = arith.constant 0 : i32
    %swap3A_13 = arith.index_cast %swap3A : i32 to index
    %swap3A_14 = arith.constant 0 : index
    %swap3A_15 = tpu.vector_load %arg10[%swap3A_13, %swap3A_14] {strides = array<i32>} : memref<5x128xi32, #tpu.memory_space<vmem>>, vector<1x16xi32>,
    %swap3A_16 = vector.shape_cast %swap3A_15 : vector<1x16xi32> to vector<16xi32>
    %swap3A_17 = vector.shape_cast %get3A_12 : vector<16xi32> to vector<1x16xi32>
    tpu.vector_store %arg10[%swap3A_13, %swap3A_14], %swap3A_17 {strides = array<i32>} : memref<5x128xi32, #tpu.memory_space<vmem>>, vector<1x16xi32>,
    %get3A_18 = arith.constant 16 : index
    %get3A_19 = tpu.vector_load %arg8[%get3A_18] {strides = array<i32>} : memref<32xi32, #tpu.memory_space<vmem>>, vector<16xi32>,
    %get3A_20 = vector.shape_cast %get3A_19 : vector<16xi32> to vector<16xi32>
    %swap3A_21 = arith.constant 0 : i32
    %swap3A_22 = arith.index_cast %swap3A_21 : i32 to index
    %swap3A_23 = arith.constant 16 : index
    %swap3A_24 = tpu.vector_load %arg10[%swap3A_22, %swap3A_23] {strides = array<i32>} : memref<5x128xi32, #tpu.memory_space<vmem>>, vector<1x16xi32>,
    %swap3A_25 = vector.shape_cast %swap3A_24 : vector<1x16xi32> to vector<16xi32>
    %swap3A_26 = vector.shape_cast %get3A_20 : vector<16xi32> to vector<1x16xi32>
    tpu.vector_store %arg10[%swap3A_22, %swap3A_23], %swap3A_26 {strides = array<i32>} : memref<5x128xi32, #tpu.memory_space<vmem>>, vector<1x16xi32>,
    %broadcast_in_dim3A = arith.constant 0 : i32
    %broadcast_in_dim3A_27 = vector.broadcast %broadcast_in_dim3A : i32 to vector<16xi32>
    %swap3A_28 = arith.constant 4 : i32
    %swap3A_29 = arith.index_cast %swap3A_28 : i32 to index
    %swap3A_30 = arith.constant 32 : index
    %swap3A_31 = tpu.vector_load %arg10[%swap3A_29, %swap3A_30] {strides = array<i32>} : memref<5x128xi32, #tpu.memory_space<vmem>>, vector<1x16xi32>,
    %swap3A_32 = vector.shape_cast %swap3A_31 : vector<1x16xi32> to vector<16xi32>
    %swap3A_33 = vector.shape_cast %broadcast_in_dim3A_27 : vector<16xi32> to vector<1x16xi32>
    tpu.vector_store %arg10[%swap3A_29, %swap3A_30], %swap3A_33 {strides = array<i32>} : memref<5x128xi32, #tpu.memory_space<vmem>>, vector<1x16xi32>,
    %broadcast_in_dim3A_34 = arith.constant 0 : i32
    %broadcast_in_dim3A_35 = vector.broadcast %broadcast_in_dim3A_34 : i32 to vector<16xi32>
    %swap3A_36 = arith.constant 4 : i32
    %swap3A_37 = arith.index_cast %swap3A_36 : i32 to index
    %swap3A_38 = arith.constant 48 : index
    %swap3A_39 = tpu.vector_load %arg10[%swap3A_37, %swap3A_38] {strides = array<i32>} : memref<5x128xi32, #tpu.memory_space<vmem>>, vector<1x16xi32>,
    %swap3A_40 = vector.shape_cast %swap3A_39 : vector<1x16xi32> to vector<16xi32>
    %swap3A_41 = vector.shape_cast %broadcast_in_dim3A_35 : vector<16xi32> to vector<1x16xi32>
    tpu.vector_store %arg10[%swap3A_37, %swap3A_38], %swap3A_41 {strides = array<i32>} : memref<5x128xi32, #tpu.memory_space<vmem>>, vector<1x16xi32>,
    %broadcast_in_dim3A_42 = arith.constant 0 : i32
    %broadcast_in_dim3A_43 = vector.broadcast %broadcast_in_dim3A_42 : i32 to vector<16xi32>
    %swap3A_44 = arith.constant 4 : i32
    %swap3A_45 = arith.index_cast %swap3A_44 : i32 to index
    %swap3A_46 = arith.constant 64 : index
    %swap3A_47 = tpu.vector_load %arg10[%swap3A_45, %swap3A_46] {strides = array<i32>} : memref<5x128xi32, #tpu.memory_space<vmem>>, vector<1x16xi32>,
    %swap3A_48 = vector.shape_cast %swap3A_47 : vector<1x16xi32> to vector<16xi32>
    %swap3A_49 = vector.shape_cast %broadcast_in_dim3A_43 : vector<16xi32> to vector<1x16xi32>
    tpu.vector_store %arg10[%swap3A_45, %swap3A_46], %swap3A_49 {strides = array<i32>} : memref<5x128xi32, #tpu.memory_space<vmem>>, vector<1x16xi32>,
    %broadcast_in_dim3A_50 = arith.constant 0 : i32
    %broadcast_in_dim3A_51 = vector.broadcast %broadcast_in_dim3A_50 : i32 to vector<16xi32>
    %swap3A_52 = arith.constant 4 : i32
    %swap3A_53 = arith.index_cast %swap3A_52 : i32 to index
    %swap3A_54 = arith.constant 80 : index
    %swap3A_55 = tpu.vector_load %arg10[%swap3A_53, %swap3A_54] {strides = array<i32>} : memref<5x128xi32, #tpu.memory_space<vmem>>, vector<1x16xi32>,
    %swap3A_56 = vector.shape_cast %swap3A_55 : vector<1x16xi32> to vector<16xi32>
    %swap3A_57 = vector.shape_cast %broadcast_in_dim3A_51 : vector<16xi32> to vector<1x16xi32>
    tpu.vector_store %arg10[%swap3A_53, %swap3A_54], %swap3A_57 {strides = array<i32>} : memref<5x128xi32, #tpu.memory_space<vmem>>, vector<1x16xi32>,
    %broadcast_in_dim3A_58 = arith.constant 0 : i32
    %broadcast_in_dim3A_59 = vector.broadcast %broadcast_in_dim3A_58 : i32 to vector<16xi32>
    %swap3A_60 = arith.constant 4 : i32
    %swap3A_61 = arith.index_cast %swap3A_60 : i32 to index
    %swap3A_62 = arith.constant 96 : index
    %swap3A_63 = tpu.vector_load %arg10[%swap3A_61, %swap3A_62] {strides = array<i32>} : memref<5x128xi32, #tpu.memory_space<vmem>>, vector<1x16xi32>,
    %swap3A_64 = vector.shape_cast %swap3A_63 : vector<1x16xi32> to vector<16xi32>
    %swap3A_65 = vector.shape_cast %broadcast_in_dim3A_59 : vector<16xi32> to vector<1x16xi32>
    tpu.vector_store %arg10[%swap3A_61, %swap3A_62], %swap3A_65 {strides = array<i32>} : memref<5x128xi32, #tpu.memory_space<vmem>>, vector<1x16xi32>,
    %broadcast_in_dim3A_66 = arith.constant 0 : i32
    %broadcast_in_dim3A_67 = vector.broadcast %broadcast_in_dim3A_66 : i32 to vector<16xi32>
    %swap3A_68 = arith.constant 4 : i32
    %swap3A_69 = arith.index_cast %swap3A_68 : i32 to index
    %swap3A_70 = arith.constant 112 : index
    %swap3A_71 = tpu.vector_load %arg10[%swap3A_69, %swap3A_70] {strides = array<i32>} : memref<5x128xi32, #tpu.memory_space<vmem>>, vector<1x16xi32>,
    %swap3A_72 = vector.shape_cast %swap3A_71 : vector<1x16xi32> to vector<16xi32>
    %swap3A_73 = vector.shape_cast %broadcast_in_dim3A_67 : vector<16xi32> to vector<1x16xi32>
    tpu.vector_store %arg10[%swap3A_69, %swap3A_70], %swap3A_73 {strides = array<i32>} : memref<5x128xi32, #tpu.memory_space<vmem>>, vector<1x16xi32>,
    %scan3A = arith.constant 0 : i32
    %scan3A_74 = arith.constant 0 : i32
    %scan3A_75 = arith.constant 32 : i32
    %scan3A_76 = arith.addi %scan3A_74, %scan3A_75 : i32
    %scan3A_77 = arith.constant 1 : i32
    scf.for %scan3A_406 = %scan3A_74 to %scan3A_76 step %scan3A_77  : i32 {
      %mul3A_407 = arith.constant 16 : i32
      %mul3A_408 = arith.muli %scan3A_406, %mul3A_407 : i32
      %add3A_409 = arith.constant 32 : i32
      %add3A_410 = arith.addi %add3A_409, %mul3A_408 : i32
      %get3A_411 = arith.index_cast %scan3A_406 : i32 to index
      %get3A_412 = arith.constant 0 : index
      %get3A_413 = tpu.vector_load %arg9[%get3A_411, %get3A_412] {strides = array<i32>} : memref<32x16xi32, #tpu.memory_space<vmem>>, vector<1x16xi32>,
      %get3A_414 = vector.shape_cast %get3A_413 : vector<1x16xi32> to vector<16xi32>
      %jit3A = arith.constant 128 : i32
      %div3A = arith.divsi %add3A_410, %jit3A : i32
      %sign3A = arith.constant 0 : i32
      %sign3A_415 = arith.cmpi sgt, %add3A_410, %sign3A : i32
      %sign3A_416 = arith.extui %sign3A_415 : i1 to i32
      %sign3A_417 = arith.constant 0 : i32
      %sign3A_418 = arith.cmpi slt, %add3A_410, %sign3A_417 : i32
      %sign3A_419 = arith.extui %sign3A_418 : i1 to i32
      %sign3A_420 = arith.subi %sign3A_416, %sign3A_419 : i32
      %sign3A_421 = arith.constant 0 : i32
      %sign3A_422 = arith.cmpi sgt, %jit3A, %sign3A_421 : i32
      %sign3A_423 = arith.extui %sign3A_422 : i1 to i32
      %sign3A_424 = arith.constant 0 : i32
      %sign3A_425 = arith.cmpi slt, %jit3A, %sign3A_424 : i32
      %sign3A_426 = arith.extui %sign3A_425 : i1 to i32
      %sign3A_427 = arith.subi %sign3A_423, %sign3A_426 : i32
      %ne3A = arith.cmpi ne, %sign3A_420, %sign3A_427 : i32
      %rem3A = arith.remsi %add3A_410, %jit3A : i32
      %ne3A_428 = arith.constant 0 : i32
      %ne3A_429 = arith.cmpi ne, %rem3A, %ne3A_428 : i32
      %and3A = arith.andi %ne3A, %ne3A_429 : i1
      %sub3A_430 = arith.constant 1 : i32
      %sub3A_431 = arith.subi %div3A, %sub3A_430 : i32
      %select_n3A = arith.select %and3A, %sub3A_431, %div3A : i32
      %jit3A_432 = arith.constant 128 : i32
      %eq3A = arith.constant 0 : i32
      %eq3A_433 = arith.cmpi eq, %jit3A_432, %eq3A : i32
      %jit3A_434 = arith.constant 1 : i32
      %select_n3A_435 = arith.select %eq3A_433, %jit3A_434, %jit3A_432 : i32
      %rem3A_436 = arith.remsi %add3A_410, %select_n3A_435 : i32
      %ne3A_437 = arith.constant 0 : i32
      %ne3A_438 = arith.cmpi ne, %rem3A_436, %ne3A_437 : i32
      %lt3A = arith.constant 0 : i32
      %lt3A_439 = arith.cmpi slt, %rem3A_436, %lt3A : i32
      %lt3A_440 = arith.constant 0 : i32
      %lt3A_441 = arith.cmpi slt, %select_n3A_435, %lt3A_440 : i32
      %ne3A_442 = arith.xori %lt3A_439, %lt3A_441 : i1
      %and3A_443 = arith.andi %ne3A_442, %ne3A_438 : i1
      %add3A_444 = arith.addi %rem3A_436, %select_n3A_435 : i32
      %select_n3A_445 = arith.select %and3A_443, %add3A_444, %rem3A_436 : i32
      %swap3A_446 = arith.index_cast %select_n3A : i32 to index
      %swap3A_447 = arith.index_cast %select_n3A_445 : i32 to index
      %swap3A_448 = tpu.vector_load %arg10[%swap3A_446, %swap3A_447] {strides = array<i32>} : memref<5x128xi32, #tpu.memory_space<vmem>>, vector<1x16xi32>,
      %swap3A_449 = vector.shape_cast %swap3A_448 : vector<1x16xi32> to vector<16xi32>
      %swap3A_450 = vector.shape_cast %get3A_414 : vector<16xi32> to vector<1x16xi32>
      tpu.vector_store %arg10[%swap3A_446, %swap3A_447], %swap3A_450 {strides = array<i32>} : memref<5x128xi32, #tpu.memory_space<vmem>>, vector<1x16xi32>,
    }
    %scan3A_78 = arith.constant 32 : i32
    %dma_start3A_79 = arith.constant 0 : i32
    %dma_start3A_80 = arith.constant 0 : i32
    %dma_start3A_81 = arith.constant 0 : i32
    %dma_start3A_82 = tpu.memref_slice %arg11[%dma_start3A_80, %dma_start3A_81] : memref<640x16xi32, #tpu.memory_space<vmem>> -> memref<128x16xi32, #tpu.memory_space<vmem>>
    %dma_start3A_83 = arith.constant 0 : i32
    %dma_start3A_84 = tpu.memref_slice %arg10[%dma_start3A_79, %dma_start3A_83] : memref<5x128xi32, #tpu.memory_space<vmem>> -> memref<1x128xi32, #tpu.memory_space<vmem>>
    %dma_start3A_85 = tpu.memref_squeeze %dma_start3A_84 : memref<1x128xi32, #tpu.memory_space<vmem>> -> memref<128xi32, #tpu.memory_space<vmem>>
    %dma_start3A_86 = arith.constant 0 : i32
    %dma_start3A_87 = arith.constant 0 : i32
    %dma_start3A_88 = tpu.memref_slice %arg3[%dma_start3A_86, %dma_start3A_87] : memref<100000x16xi32, #tpu.memory_space<hbm>> -> memref<100000x16xi32, #tpu.memory_space<hbm>>
    tpu.enqueue_indirect_dma source(%dma_start3A_88 : memref<100000x16xi32, #tpu.memory_space<hbm>>) target(%dma_start3A_82 : memref<128x16xi32, #tpu.memory_space<vmem>>) offsets(%dma_start3A_85 : memref<128xi32, #tpu.memory_space<vmem>>) semaphore(%arg21 : memref<!tpu.dma_semaphore, #tpu.memory_space<semaphore_mem>>)
    %dma_start3A_89 = arith.constant 1 : i32
    %dma_start3A_90 = arith.constant 128 : i32
    %dma_start3A_91 = arith.constant 0 : i32
    %dma_start3A_92 = tpu.memref_slice %arg11[%dma_start3A_90, %dma_start3A_91] : memref<640x16xi32, #tpu.memory_space<vmem>> -> memref<128x16xi32, #tpu.memory_space<vmem>>
    %dma_start3A_93 = arith.constant 0 : i32
    %dma_start3A_94 = tpu.memref_slice %arg10[%dma_start3A_89, %dma_start3A_93] : memref<5x128xi32, #tpu.memory_space<vmem>> -> memref<1x128xi32, #tpu.memory_space<vmem>>
    %dma_start3A_95 = tpu.memref_squeeze %dma_start3A_94 : memref<1x128xi32, #tpu.memory_space<vmem>> -> memref<128xi32, #tpu.memory_space<vmem>>
    %dma_start3A_96 = arith.constant 0 : i32
    %dma_start3A_97 = arith.constant 0 : i32
    %dma_start3A_98 = tpu.memref_slice %arg3[%dma_start3A_96, %dma_start3A_97] : memref<100000x16xi32, #tpu.memory_space<hbm>> -> memref<100000x16xi32, #tpu.memory_space<hbm>>
    tpu.enqueue_indirect_dma source(%dma_start3A_98 : memref<100000x16xi32, #tpu.memory_space<hbm>>) target(%dma_start3A_92 : memref<128x16xi32, #tpu.memory_space<vmem>>) offsets(%dma_start3A_95 : memref<128xi32, #tpu.memory_space<vmem>>) semaphore(%arg21 : memref<!tpu.dma_semaphore, #tpu.memory_space<semaphore_mem>>)
    %dma_start3A_99 = arith.constant 2 : i32
    %dma_start3A_100 = arith.constant 256 : i32
    %dma_start3A_101 = arith.constant 0 : i32
    %dma_start3A_102 = tpu.memref_slice %arg11[%dma_start3A_100, %dma_start3A_101] : memref<640x16xi32, #tpu.memory_space<vmem>> -> memref<128x16xi32, #tpu.memory_space<vmem>>
    %dma_start3A_103 = arith.constant 0 : i32
    %dma_start3A_104 = tpu.memref_slice %arg10[%dma_start3A_99, %dma_start3A_103] : memref<5x128xi32, #tpu.memory_space<vmem>> -> memref<1x128xi32, #tpu.memory_space<vmem>>
    %dma_start3A_105 = tpu.memref_squeeze %dma_start3A_104 : memref<1x128xi32, #tpu.memory_space<vmem>> -> memref<128xi32, #tpu.memory_space<vmem>>
    %dma_start3A_106 = arith.constant 0 : i32
    %dma_start3A_107 = arith.constant 0 : i32
    %dma_start3A_108 = tpu.memref_slice %arg3[%dma_start3A_106, %dma_start3A_107] : memref<100000x16xi32, #tpu.memory_space<hbm>> -> memref<100000x16xi32, #tpu.memory_space<hbm>>
    tpu.enqueue_indirect_dma source(%dma_start3A_108 : memref<100000x16xi32, #tpu.memory_space<hbm>>) target(%dma_start3A_102 : memref<128x16xi32, #tpu.memory_space<vmem>>) offsets(%dma_start3A_105 : memref<128xi32, #tpu.memory_space<vmem>>) semaphore(%arg21 : memref<!tpu.dma_semaphore, #tpu.memory_space<semaphore_mem>>)
    %dma_start3A_109 = arith.constant 3 : i32
    %dma_start3A_110 = arith.constant 384 : i32
    %dma_start3A_111 = arith.constant 0 : i32
    %dma_start3A_112 = tpu.memref_slice %arg11[%dma_start3A_110, %dma_start3A_111] : memref<640x16xi32, #tpu.memory_space<vmem>> -> memref<128x16xi32, #tpu.memory_space<vmem>>
    %dma_start3A_113 = arith.constant 0 : i32
    %dma_start3A_114 = tpu.memref_slice %arg10[%dma_start3A_109, %dma_start3A_113] : memref<5x128xi32, #tpu.memory_space<vmem>> -> memref<1x128xi32, #tpu.memory_space<vmem>>
    %dma_start3A_115 = tpu.memref_squeeze %dma_start3A_114 : memref<1x128xi32, #tpu.memory_space<vmem>> -> memref<128xi32, #tpu.memory_space<vmem>>
    %dma_start3A_116 = arith.constant 0 : i32
    %dma_start3A_117 = arith.constant 0 : i32
    %dma_start3A_118 = tpu.memref_slice %arg3[%dma_start3A_116, %dma_start3A_117] : memref<100000x16xi32, #tpu.memory_space<hbm>> -> memref<100000x16xi32, #tpu.memory_space<hbm>>
    tpu.enqueue_indirect_dma source(%dma_start3A_118 : memref<100000x16xi32, #tpu.memory_space<hbm>>) target(%dma_start3A_112 : memref<128x16xi32, #tpu.memory_space<vmem>>) offsets(%dma_start3A_115 : memref<128xi32, #tpu.memory_space<vmem>>) semaphore(%arg21 : memref<!tpu.dma_semaphore, #tpu.memory_space<semaphore_mem>>)
    %dma_start3A_119 = arith.constant 4 : i32
    %dma_start3A_120 = arith.constant 512 : i32
    %dma_start3A_121 = arith.constant 0 : i32
    %dma_start3A_122 = tpu.memref_slice %arg11[%dma_start3A_120, %dma_start3A_121] : memref<640x16xi32, #tpu.memory_space<vmem>> -> memref<128x16xi32, #tpu.memory_space<vmem>>
    %dma_start3A_123 = arith.constant 0 : i32
    %dma_start3A_124 = tpu.memref_slice %arg10[%dma_start3A_119, %dma_start3A_123] : memref<5x128xi32, #tpu.memory_space<vmem>> -> memref<1x128xi32, #tpu.memory_space<vmem>>
    %dma_start3A_125 = tpu.memref_squeeze %dma_start3A_124 : memref<1x128xi32, #tpu.memory_space<vmem>> -> memref<128xi32, #tpu.memory_space<vmem>>
    %dma_start3A_126 = arith.constant 0 : i32
    %dma_start3A_127 = arith.constant 0 : i32
    %dma_start3A_128 = tpu.memref_slice %arg3[%dma_start3A_126, %dma_start3A_127] : memref<100000x16xi32, #tpu.memory_space<hbm>> -> memref<100000x16xi32, #tpu.memory_space<hbm>>
    tpu.enqueue_indirect_dma source(%dma_start3A_128 : memref<100000x16xi32, #tpu.memory_space<hbm>>) target(%dma_start3A_122 : memref<128x16xi32, #tpu.memory_space<vmem>>) offsets(%dma_start3A_125 : memref<128xi32, #tpu.memory_space<vmem>>) semaphore(%arg21 : memref<!tpu.dma_semaphore, #tpu.memory_space<semaphore_mem>>)
    %dma_start3A_129 = arith.constant 0 : i32
    %dma_start3A_130 = arith.constant 0 : i32
    %dma_start3A_131 = tpu.memref_slice %arg10[%dma_start3A_129, %dma_start3A_130] : memref<5x128xi32, #tpu.memory_space<vmem>> -> memref<1x128xi32, #tpu.memory_space<vmem>>
    %dma_start3A_132 = tpu.memref_squeeze %dma_start3A_131 : memref<1x128xi32, #tpu.memory_space<vmem>> -> memref<128xi32, #tpu.memory_space<vmem>>
    %dma_start3A_133 = arith.constant 0 : i32
    %dma_start3A_134 = arith.constant 0 : i32
    %dma_start3A_135 = tpu.memref_slice %arg4[%dma_start3A_133, %dma_start3A_134] : memref<100000x128xf32, #tpu.memory_space<hbm>> -> memref<100000x128xf32, #tpu.memory_space<hbm>>
    tpu.enqueue_indirect_dma source(%dma_start3A_135 : memref<100000x128xf32, #tpu.memory_space<hbm>>) target(%arg13 : memref<128x128xf32, #tpu.memory_space<vmem>>) offsets(%dma_start3A_132 : memref<128xi32, #tpu.memory_space<vmem>>) semaphore(%arg22 : memref<!tpu.dma_semaphore, #tpu.memory_space<semaphore_mem>>)
    %dma_start3A_136 = arith.constant 1 : i32
    %dma_start3A_137 = arith.constant 0 : i32
    %dma_start3A_138 = tpu.memref_slice %arg10[%dma_start3A_136, %dma_start3A_137] : memref<5x128xi32, #tpu.memory_space<vmem>> -> memref<1x128xi32, #tpu.memory_space<vmem>>
    %dma_start3A_139 = tpu.memref_squeeze %dma_start3A_138 : memref<1x128xi32, #tpu.memory_space<vmem>> -> memref<128xi32, #tpu.memory_space<vmem>>
    %dma_start3A_140 = arith.constant 0 : i32
    %dma_start3A_141 = arith.constant 0 : i32
    %dma_start3A_142 = tpu.memref_slice %arg4[%dma_start3A_140, %dma_start3A_141] : memref<100000x128xf32, #tpu.memory_space<hbm>> -> memref<100000x128xf32, #tpu.memory_space<hbm>>
    tpu.enqueue_indirect_dma source(%dma_start3A_142 : memref<100000x128xf32, #tpu.memory_space<hbm>>) target(%arg14 : memref<128x128xf32, #tpu.memory_space<vmem>>) offsets(%dma_start3A_139 : memref<128xi32, #tpu.memory_space<vmem>>) semaphore(%arg23 : memref<!tpu.dma_semaphore, #tpu.memory_space<semaphore_mem>>)
    %dma_wait3A_143 = arith.constant 0 : i32
    %dma_wait3A_144 = arith.constant 0 : i32
    %dma_wait3A_145 = arith.constant 0 : i32
    %dma_wait3A_146 = tpu.memref_slice %arg11[%dma_wait3A_144, %dma_wait3A_145] : memref<640x16xi32, #tpu.memory_space<vmem>> -> memref<128x16xi32, #tpu.memory_space<vmem>>
    %dma_wait3A_147 = arith.constant 0 : i32
    %dma_wait3A_148 = tpu.memref_slice %arg10[%dma_wait3A_143, %dma_wait3A_147] : memref<5x128xi32, #tpu.memory_space<vmem>> -> memref<1x128xi32, #tpu.memory_space<vmem>>
    %dma_wait3A_149 = tpu.memref_squeeze %dma_wait3A_148 : memref<1x128xi32, #tpu.memory_space<vmem>> -> memref<128xi32, #tpu.memory_space<vmem>>
    %dma_wait3A_150 = arith.constant 0 : i32
    %dma_wait3A_151 = arith.constant 0 : i32
    %dma_wait3A_152 = tpu.memref_slice %arg3[%dma_wait3A_150, %dma_wait3A_151] : memref<100000x16xi32, #tpu.memory_space<hbm>> -> memref<100000x16xi32, #tpu.memory_space<hbm>>
    tpu.wait_indirect_dma semaphore(%arg21 : memref<!tpu.dma_semaphore, #tpu.memory_space<semaphore_mem>>) src(%dma_wait3A_152 : memref<100000x16xi32, #tpu.memory_space<hbm>>) dst(%dma_wait3A_146 : memref<128x16xi32, #tpu.memory_space<vmem>>)
    %dma_wait3A_153 = arith.constant 1 : i32
    %dma_wait3A_154 = arith.constant 128 : i32
    %dma_wait3A_155 = arith.constant 0 : i32
    %dma_wait3A_156 = tpu.memref_slice %arg11[%dma_wait3A_154, %dma_wait3A_155] : memref<640x16xi32, #tpu.memory_space<vmem>> -> memref<128x16xi32, #tpu.memory_space<vmem>>
    %dma_wait3A_157 = arith.constant 0 : i32
    %dma_wait3A_158 = tpu.memref_slice %arg10[%dma_wait3A_153, %dma_wait3A_157] : memref<5x128xi32, #tpu.memory_space<vmem>> -> memref<1x128xi32, #tpu.memory_space<vmem>>
    %dma_wait3A_159 = tpu.memref_squeeze %dma_wait3A_158 : memref<1x128xi32, #tpu.memory_space<vmem>> -> memref<128xi32, #tpu.memory_space<vmem>>
    %dma_wait3A_160 = arith.constant 0 : i32
    %dma_wait3A_161 = arith.constant 0 : i32
    %dma_wait3A_162 = tpu.memref_slice %arg3[%dma_wait3A_160, %dma_wait3A_161] : memref<100000x16xi32, #tpu.memory_space<hbm>> -> memref<100000x16xi32, #tpu.memory_space<hbm>>
    tpu.wait_indirect_dma semaphore(%arg21 : memref<!tpu.dma_semaphore, #tpu.memory_space<semaphore_mem>>) src(%dma_wait3A_162 : memref<100000x16xi32, #tpu.memory_space<hbm>>) dst(%dma_wait3A_156 : memref<128x16xi32, #tpu.memory_space<vmem>>)
    %dma_wait3A_163 = arith.constant 2 : i32
    %dma_wait3A_164 = arith.constant 256 : i32
    %dma_wait3A_165 = arith.constant 0 : i32
    %dma_wait3A_166 = tpu.memref_slice %arg11[%dma_wait3A_164, %dma_wait3A_165] : memref<640x16xi32, #tpu.memory_space<vmem>> -> memref<128x16xi32, #tpu.memory_space<vmem>>
    %dma_wait3A_167 = arith.constant 0 : i32
    %dma_wait3A_168 = tpu.memref_slice %arg10[%dma_wait3A_163, %dma_wait3A_167] : memref<5x128xi32, #tpu.memory_space<vmem>> -> memref<1x128xi32, #tpu.memory_space<vmem>>
    %dma_wait3A_169 = tpu.memref_squeeze %dma_wait3A_168 : memref<1x128xi32, #tpu.memory_space<vmem>> -> memref<128xi32, #tpu.memory_space<vmem>>
    %dma_wait3A_170 = arith.constant 0 : i32
    %dma_wait3A_171 = arith.constant 0 : i32
    %dma_wait3A_172 = tpu.memref_slice %arg3[%dma_wait3A_170, %dma_wait3A_171] : memref<100000x16xi32, #tpu.memory_space<hbm>> -> memref<100000x16xi32, #tpu.memory_space<hbm>>
    tpu.wait_indirect_dma semaphore(%arg21 : memref<!tpu.dma_semaphore, #tpu.memory_space<semaphore_mem>>) src(%dma_wait3A_172 : memref<100000x16xi32, #tpu.memory_space<hbm>>) dst(%dma_wait3A_166 : memref<128x16xi32, #tpu.memory_space<vmem>>)
    %dma_wait3A_173 = arith.constant 3 : i32
    %dma_wait3A_174 = arith.constant 384 : i32
    %dma_wait3A_175 = arith.constant 0 : i32
    %dma_wait3A_176 = tpu.memref_slice %arg11[%dma_wait3A_174, %dma_wait3A_175] : memref<640x16xi32, #tpu.memory_space<vmem>> -> memref<128x16xi32, #tpu.memory_space<vmem>>
    %dma_wait3A_177 = arith.constant 0 : i32
    %dma_wait3A_178 = tpu.memref_slice %arg10[%dma_wait3A_173, %dma_wait3A_177] : memref<5x128xi32, #tpu.memory_space<vmem>> -> memref<1x128xi32, #tpu.memory_space<vmem>>
    %dma_wait3A_179 = tpu.memref_squeeze %dma_wait3A_178 : memref<1x128xi32, #tpu.memory_space<vmem>> -> memref<128xi32, #tpu.memory_space<vmem>>
    %dma_wait3A_180 = arith.constant 0 : i32
    %dma_wait3A_181 = arith.constant 0 : i32
    %dma_wait3A_182 = tpu.memref_slice %arg3[%dma_wait3A_180, %dma_wait3A_181] : memref<100000x16xi32, #tpu.memory_space<hbm>> -> memref<100000x16xi32, #tpu.memory_space<hbm>>
    tpu.wait_indirect_dma semaphore(%arg21 : memref<!tpu.dma_semaphore, #tpu.memory_space<semaphore_mem>>) src(%dma_wait3A_182 : memref<100000x16xi32, #tpu.memory_space<hbm>>) dst(%dma_wait3A_176 : memref<128x16xi32, #tpu.memory_space<vmem>>)
    %dma_wait3A_183 = arith.constant 4 : i32
    %dma_wait3A_184 = arith.constant 512 : i32
    %dma_wait3A_185 = arith.constant 0 : i32
    %dma_wait3A_186 = tpu.memref_slice %arg11[%dma_wait3A_184, %dma_wait3A_185] : memref<640x16xi32, #tpu.memory_space<vmem>> -> memref<128x16xi32, #tpu.memory_space<vmem>>
    %dma_wait3A_187 = arith.constant 0 : i32
    %dma_wait3A_188 = tpu.memref_slice %arg10[%dma_wait3A_183, %dma_wait3A_187] : memref<5x128xi32, #tpu.memory_space<vmem>> -> memref<1x128xi32, #tpu.memory_space<vmem>>
    %dma_wait3A_189 = tpu.memref_squeeze %dma_wait3A_188 : memref<1x128xi32, #tpu.memory_space<vmem>> -> memref<128xi32, #tpu.memory_space<vmem>>
    %dma_wait3A_190 = arith.constant 0 : i32
    %dma_wait3A_191 = arith.constant 0 : i32
    %dma_wait3A_192 = tpu.memref_slice %arg3[%dma_wait3A_190, %dma_wait3A_191] : memref<100000x16xi32, #tpu.memory_space<hbm>> -> memref<100000x16xi32, #tpu.memory_space<hbm>>
    tpu.wait_indirect_dma semaphore(%arg21 : memref<!tpu.dma_semaphore, #tpu.memory_space<semaphore_mem>>) src(%dma_wait3A_192 : memref<100000x16xi32, #tpu.memory_space<hbm>>) dst(%dma_wait3A_186 : memref<128x16xi32, #tpu.memory_space<vmem>>)
    %scan3A_193 = arith.constant 0 : i32
    %scan3A_194 = arith.constant 0 : i32
    %scan3A_195 = arith.constant 544 : i32
    %scan3A_196 = arith.addi %scan3A_194, %scan3A_195 : i32
    %scan3A_197 = arith.constant 1 : i32
    scf.for %scan3A_406 = %scan3A_194 to %scan3A_196 step %scan3A_197  : i32 {
      %get3A_407 = arith.index_cast %scan3A_406 : i32 to index
      %get3A_408 = arith.constant 0 : index
      %get3A_409 = tpu.vector_load %arg11[%get3A_407, %get3A_408] {strides = array<i32>} : memref<640x16xi32, #tpu.memory_space<vmem>>, vector<1x16xi32>,
      %get3A_410 = vector.shape_cast %get3A_409 : vector<1x16xi32> to vector<16xi32>
      %jit3A = arith.constant 8 : i32
      %div3A = arith.divsi %scan3A_406, %jit3A : i32
      %sign3A = arith.constant 0 : i32
      %sign3A_411 = arith.cmpi sgt, %scan3A_406, %sign3A : i32
      %sign3A_412 = arith.extui %sign3A_411 : i1 to i32
      %sign3A_413 = arith.constant 0 : i32
      %sign3A_414 = arith.cmpi slt, %scan3A_406, %sign3A_413 : i32
      %sign3A_415 = arith.extui %sign3A_414 : i1 to i32
      %sign3A_416 = arith.subi %sign3A_412, %sign3A_415 : i32
      %sign3A_417 = arith.constant 0 : i32
      %sign3A_418 = arith.cmpi sgt, %jit3A, %sign3A_417 : i32
      %sign3A_419 = arith.extui %sign3A_418 : i1 to i32
      %sign3A_420 = arith.constant 0 : i32
      %sign3A_421 = arith.cmpi slt, %jit3A, %sign3A_420 : i32
      %sign3A_422 = arith.extui %sign3A_421 : i1 to i32
      %sign3A_423 = arith.subi %sign3A_419, %sign3A_422 : i32
      %ne3A = arith.cmpi ne, %sign3A_416, %sign3A_423 : i32
      %rem3A = arith.remsi %scan3A_406, %jit3A : i32
      %ne3A_424 = arith.constant 0 : i32
      %ne3A_425 = arith.cmpi ne, %rem3A, %ne3A_424 : i32
      %and3A = arith.andi %ne3A, %ne3A_425 : i1
      %sub3A_426 = arith.constant 1 : i32
      %sub3A_427 = arith.subi %div3A, %sub3A_426 : i32
      %select_n3A = arith.select %and3A, %sub3A_427, %div3A : i32
      %jit3A_428 = arith.constant 8 : i32
      %eq3A = arith.constant 0 : i32
      %eq3A_429 = arith.cmpi eq, %jit3A_428, %eq3A : i32
      %jit3A_430 = arith.constant 1 : i32
      %select_n3A_431 = arith.select %eq3A_429, %jit3A_430, %jit3A_428 : i32
      %rem3A_432 = arith.remsi %scan3A_406, %select_n3A_431 : i32
      %ne3A_433 = arith.constant 0 : i32
      %ne3A_434 = arith.cmpi ne, %rem3A_432, %ne3A_433 : i32
      %lt3A = arith.constant 0 : i32
      %lt3A_435 = arith.cmpi slt, %rem3A_432, %lt3A : i32
      %lt3A_436 = arith.constant 0 : i32
      %lt3A_437 = arith.cmpi slt, %select_n3A_431, %lt3A_436 : i32
      %ne3A_438 = arith.xori %lt3A_435, %lt3A_437 : i1
      %and3A_439 = arith.andi %ne3A_438, %ne3A_434 : i1
      %add3A_440 = arith.addi %rem3A_432, %select_n3A_431 : i32
      %select_n3A_441 = arith.select %and3A_439, %add3A_440, %rem3A_432 : i32
      %mul3A_442 = arith.constant 16 : i32
      %mul3A_443 = arith.muli %select_n3A_441, %mul3A_442 : i32
      %swap3A_444 = arith.index_cast %select_n3A : i32 to index
      %swap3A_445 = arith.index_cast %mul3A_443 : i32 to index
      %swap3A_446 = tpu.vector_load %arg12[%swap3A_444, %swap3A_445] {strides = array<i32>} : memref<68x128xi32, #tpu.memory_space<vmem>>, vector<1x16xi32>,
      %swap3A_447 = vector.shape_cast %swap3A_446 : vector<1x16xi32> to vector<16xi32>
      %swap3A_448 = vector.shape_cast %get3A_410 : vector<16xi32> to vector<1x16xi32>
      tpu.vector_store %arg12[%swap3A_444, %swap3A_445], %swap3A_448 {strides = array<i32>} : memref<68x128xi32, #tpu.memory_space<vmem>>, vector<1x16xi32>,
    }
    %scan3A_198 = arith.constant 544 : i32
    %dma_start3A_199 = arith.constant 0 : i32
    %dma_start3A_200 = arith.constant 0 : i32
    %dma_start3A_201 = tpu.memref_slice %arg12[%dma_start3A_199, %dma_start3A_200] : memref<68x128xi32, #tpu.memory_space<vmem>> -> memref<1x128xi32, #tpu.memory_space<vmem>>
    %dma_start3A_202 = tpu.memref_squeeze %dma_start3A_201 : memref<1x128xi32, #tpu.memory_space<vmem>> -> memref<128xi32, #tpu.memory_space<vmem>>
    %dma_start3A_203 = arith.constant 0 : i32
    %dma_start3A_204 = arith.constant 0 : i32
    %dma_start3A_205 = tpu.memref_slice %arg5[%dma_start3A_203, %dma_start3A_204] : memref<100000x128xbf16, #tpu.memory_space<hbm>> -> memref<100000x128xbf16, #tpu.memory_space<hbm>>
    tpu.enqueue_indirect_dma source(%dma_start3A_205 : memref<100000x128xbf16, #tpu.memory_space<hbm>>) target(%arg15 : memref<128x128xbf16, #tpu.memory_space<vmem>>) offsets(%dma_start3A_202 : memref<128xi32, #tpu.memory_space<vmem>>) semaphore(%arg26 : memref<!tpu.dma_semaphore, #tpu.memory_space<semaphore_mem>>)
    %dma_start3A_206 = arith.constant 1 : i32
    %dma_start3A_207 = arith.constant 0 : i32
    %dma_start3A_208 = tpu.memref_slice %arg12[%dma_start3A_206, %dma_start3A_207] : memref<68x128xi32, #tpu.memory_space<vmem>> -> memref<1x128xi32, #tpu.memory_space<vmem>>
    %dma_start3A_209 = tpu.memref_squeeze %dma_start3A_208 : memref<1x128xi32, #tpu.memory_space<vmem>> -> memref<128xi32, #tpu.memory_space<vmem>>
    %dma_start3A_210 = arith.constant 0 : i32
    %dma_start3A_211 = arith.constant 0 : i32
    %dma_start3A_212 = tpu.memref_slice %arg5[%dma_start3A_210, %dma_start3A_211] : memref<100000x128xbf16, #tpu.memory_space<hbm>> -> memref<100000x128xbf16, #tpu.memory_space<hbm>>
    tpu.enqueue_indirect_dma source(%dma_start3A_212 : memref<100000x128xbf16, #tpu.memory_space<hbm>>) target(%arg16 : memref<128x128xbf16, #tpu.memory_space<vmem>>) offsets(%dma_start3A_209 : memref<128xi32, #tpu.memory_space<vmem>>) semaphore(%arg27 : memref<!tpu.dma_semaphore, #tpu.memory_space<semaphore_mem>>)
    %dma_start3A_213 = arith.constant 2 : i32
    %dma_start3A_214 = arith.constant 0 : i32
    %dma_start3A_215 = tpu.memref_slice %arg12[%dma_start3A_213, %dma_start3A_214] : memref<68x128xi32, #tpu.memory_space<vmem>> -> memref<1x128xi32, #tpu.memory_space<vmem>>
    %dma_start3A_216 = tpu.memref_squeeze %dma_start3A_215 : memref<1x128xi32, #tpu.memory_space<vmem>> -> memref<128xi32, #tpu.memory_space<vmem>>
    %dma_start3A_217 = arith.constant 0 : i32
    %dma_start3A_218 = arith.constant 0 : i32
    %dma_start3A_219 = tpu.memref_slice %arg5[%dma_start3A_217, %dma_start3A_218] : memref<100000x128xbf16, #tpu.memory_space<hbm>> -> memref<100000x128xbf16, #tpu.memory_space<hbm>>
    tpu.enqueue_indirect_dma source(%dma_start3A_219 : memref<100000x128xbf16, #tpu.memory_space<hbm>>) target(%arg17 : memref<128x128xbf16, #tpu.memory_space<vmem>>) offsets(%dma_start3A_216 : memref<128xi32, #tpu.memory_space<vmem>>) semaphore(%arg28 : memref<!tpu.dma_semaphore, #tpu.memory_space<semaphore_mem>>)
    %dma_start3A_220 = arith.constant 3 : i32
    %dma_start3A_221 = arith.constant 0 : i32
    %dma_start3A_222 = tpu.memref_slice %arg12[%dma_start3A_220, %dma_start3A_221] : memref<68x128xi32, #tpu.memory_space<vmem>> -> memref<1x128xi32, #tpu.memory_space<vmem>>
    %dma_start3A_223 = tpu.memref_squeeze %dma_start3A_222 : memref<1x128xi32, #tpu.memory_space<vmem>> -> memref<128xi32, #tpu.memory_space<vmem>>
    %dma_start3A_224 = arith.constant 0 : i32
    %dma_start3A_225 = arith.constant 0 : i32
    %dma_start3A_226 = tpu.memref_slice %arg5[%dma_start3A_224, %dma_start3A_225] : memref<100000x128xbf16, #tpu.memory_space<hbm>> -> memref<100000x128xbf16, #tpu.memory_space<hbm>>
    tpu.enqueue_indirect_dma source(%dma_start3A_226 : memref<100000x128xbf16, #tpu.memory_space<hbm>>) target(%arg18 : memref<128x128xbf16, #tpu.memory_space<vmem>>) offsets(%dma_start3A_223 : memref<128xi32, #tpu.memory_space<vmem>>) semaphore(%arg29 : memref<!tpu.dma_semaphore, #tpu.memory_space<semaphore_mem>>)
    %dma_wait3A_227 = arith.constant 0 : i32
    %dma_wait3A_228 = arith.constant 0 : i32
    %dma_wait3A_229 = tpu.memref_slice %arg10[%dma_wait3A_227, %dma_wait3A_228] : memref<5x128xi32, #tpu.memory_space<vmem>> -> memref<1x128xi32, #tpu.memory_space<vmem>>
    %dma_wait3A_230 = tpu.memref_squeeze %dma_wait3A_229 : memref<1x128xi32, #tpu.memory_space<vmem>> -> memref<128xi32, #tpu.memory_space<vmem>>
    %dma_wait3A_231 = arith.constant 0 : i32
    %dma_wait3A_232 = arith.constant 0 : i32
    %dma_wait3A_233 = tpu.memref_slice %arg4[%dma_wait3A_231, %dma_wait3A_232] : memref<100000x128xf32, #tpu.memory_space<hbm>> -> memref<100000x128xf32, #tpu.memory_space<hbm>>
    tpu.wait_indirect_dma semaphore(%arg22 : memref<!tpu.dma_semaphore, #tpu.memory_space<semaphore_mem>>) src(%dma_wait3A_233 : memref<100000x128xf32, #tpu.memory_space<hbm>>) dst(%arg13 : memref<128x128xf32, #tpu.memory_space<vmem>>)
    %mul3A_234 = arith.constant 32 : i32
    %mul3A_235 = arith.muli %add3A, %mul3A_234 : i32
    %dma_start3A_236 = arith.constant 0 : i32
    %dma_start3A_237 = arith.constant 0 : i32
    %dma_start3A_238 = tpu.memref_slice %arg13[%dma_start3A_236, %dma_start3A_237] : memref<128x128xf32, #tpu.memory_space<vmem>> -> memref<32x128xf32, #tpu.memory_space<vmem>>
    %dma_start3A_239 = arith.constant 0 : i32
    %dma_start3A_240 = tpu.memref_slice %arg6[%mul3A_235, %dma_start3A_239] : memref<17408x128xf32, #tpu.memory_space<hbm>> -> memref<32x128xf32, #tpu.memory_space<hbm>>
    %dma_start3A_241 = arith.constant 0 : i32
    %dma_start3A_242 = tpu.memref_slice %arg6[%mul3A_235, %dma_start3A_241] : memref<17408x128xf32, #tpu.memory_space<hbm>> -> memref<32x128xf32, #tpu.memory_space<hbm>>
    %dma_start3A_243 = arith.constant 0 : i32
    %dma_start3A_244 = arith.constant 0 : i32
    %dma_start3A_245 = tpu.memref_slice %arg13[%dma_start3A_243, %dma_start3A_244] : memref<128x128xf32, #tpu.memory_space<vmem>> -> memref<32x128xf32, #tpu.memory_space<vmem>>
    tpu.enqueue_dma source(%dma_start3A_245 : memref<32x128xf32, #tpu.memory_space<vmem>>) target(%dma_start3A_242 : memref<32x128xf32, #tpu.memory_space<hbm>>) target_semaphore(%arg24 : memref<!tpu.dma_semaphore, #tpu.memory_space<semaphore_mem>>)
    %dma_start3A_246 = arith.constant 32 : i32
    %dma_start3A_247 = arith.constant 0 : i32
    %dma_start3A_248 = tpu.memref_slice %arg13[%dma_start3A_246, %dma_start3A_247] : memref<128x128xf32, #tpu.memory_space<vmem>> -> memref<96x128xf32, #tpu.memory_space<vmem>>
    %dma_start3A_249 = arith.constant 0 : i32
    %dma_start3A_250 = tpu.memref_slice %arg6[%add3A_4, %dma_start3A_249] : memref<17408x128xf32, #tpu.memory_space<hbm>> -> memref<96x128xf32, #tpu.memory_space<hbm>>
    %dma_start3A_251 = arith.constant 0 : i32
    %dma_start3A_252 = tpu.memref_slice %arg6[%add3A_4, %dma_start3A_251] : memref<17408x128xf32, #tpu.memory_space<hbm>> -> memref<96x128xf32, #tpu.memory_space<hbm>>
    %dma_start3A_253 = arith.constant 32 : i32
    %dma_start3A_254 = arith.constant 0 : i32
    %dma_start3A_255 = tpu.memref_slice %arg13[%dma_start3A_253, %dma_start3A_254] : memref<128x128xf32, #tpu.memory_space<vmem>> -> memref<96x128xf32, #tpu.memory_space<vmem>>
    tpu.enqueue_dma source(%dma_start3A_255 : memref<96x128xf32, #tpu.memory_space<vmem>>) target(%dma_start3A_252 : memref<96x128xf32, #tpu.memory_space<hbm>>) target_semaphore(%arg24 : memref<!tpu.dma_semaphore, #tpu.memory_space<semaphore_mem>>)
    %dma_wait3A_256 = arith.constant 1 : i32
    %dma_wait3A_257 = arith.constant 0 : i32
    %dma_wait3A_258 = tpu.memref_slice %arg10[%dma_wait3A_256, %dma_wait3A_257] : memref<5x128xi32, #tpu.memory_space<vmem>> -> memref<1x128xi32, #tpu.memory_space<vmem>>
    %dma_wait3A_259 = tpu.memref_squeeze %dma_wait3A_258 : memref<1x128xi32, #tpu.memory_space<vmem>> -> memref<128xi32, #tpu.memory_space<vmem>>
    %dma_wait3A_260 = arith.constant 0 : i32
    %dma_wait3A_261 = arith.constant 0 : i32
    %dma_wait3A_262 = tpu.memref_slice %arg4[%dma_wait3A_260, %dma_wait3A_261] : memref<100000x128xf32, #tpu.memory_space<hbm>> -> memref<100000x128xf32, #tpu.memory_space<hbm>>
    tpu.wait_indirect_dma semaphore(%arg23 : memref<!tpu.dma_semaphore, #tpu.memory_space<semaphore_mem>>) src(%dma_wait3A_262 : memref<100000x128xf32, #tpu.memory_space<hbm>>) dst(%arg14 : memref<128x128xf32, #tpu.memory_space<vmem>>)
    %add3A_263 = arith.constant 96 : i32
    %add3A_264 = arith.addi %add3A_4, %add3A_263 : i32
    %dma_start3A_265 = arith.constant 0 : i32
    %dma_start3A_266 = tpu.memref_slice %arg6[%add3A_264, %dma_start3A_265] : memref<17408x128xf32, #tpu.memory_space<hbm>> -> memref<128x128xf32, #tpu.memory_space<hbm>>
    %dma_start3A_267 = arith.constant 0 : i32
    %dma_start3A_268 = tpu.memref_slice %arg6[%add3A_264, %dma_start3A_267] : memref<17408x128xf32, #tpu.memory_space<hbm>> -> memref<128x128xf32, #tpu.memory_space<hbm>>
    tpu.enqueue_dma source(%arg14 : memref<128x128xf32, #tpu.memory_space<vmem>>) target(%dma_start3A_268 : memref<128x128xf32, #tpu.memory_space<hbm>>) target_semaphore(%arg25 : memref<!tpu.dma_semaphore, #tpu.memory_space<semaphore_mem>>)
    %dma_wait3A_269 = arith.constant 0 : i32
    %dma_wait3A_270 = arith.constant 0 : i32
    %dma_wait3A_271 = tpu.memref_slice %arg4[%dma_wait3A_269, %dma_wait3A_270] : memref<100000x128xf32, #tpu.memory_space<hbm>> -> memref<128x128xf32, #tpu.memory_space<hbm>>
    %dma_wait3A_272 = arith.constant 0 : i32
    %dma_wait3A_273 = arith.constant 0 : i32
    %dma_wait3A_274 = tpu.memref_slice %arg4[%dma_wait3A_272, %dma_wait3A_273] : memref<100000x128xf32, #tpu.memory_space<hbm>> -> memref<128x128xf32, #tpu.memory_space<hbm>>
    tpu.wait_dma2 semaphore(%arg24 : memref<!tpu.dma_semaphore, #tpu.memory_space<semaphore_mem>>) src(%dma_wait3A_274 : memref<128x128xf32, #tpu.memory_space<hbm>>) dst(%arg13 : memref<128x128xf32, #tpu.memory_space<vmem>>)
    %dma_start3A_275 = arith.constant 2 : i32
    %dma_start3A_276 = arith.constant 0 : i32
    %dma_start3A_277 = tpu.memref_slice %arg10[%dma_start3A_275, %dma_start3A_276] : memref<5x128xi32, #tpu.memory_space<vmem>> -> memref<1x128xi32, #tpu.memory_space<vmem>>
    %dma_start3A_278 = tpu.memref_squeeze %dma_start3A_277 : memref<1x128xi32, #tpu.memory_space<vmem>> -> memref<128xi32, #tpu.memory_space<vmem>>
    %dma_start3A_279 = arith.constant 0 : i32
    %dma_start3A_280 = arith.constant 0 : i32
    %dma_start3A_281 = tpu.memref_slice %arg4[%dma_start3A_279, %dma_start3A_280] : memref<100000x128xf32, #tpu.memory_space<hbm>> -> memref<100000x128xf32, #tpu.memory_space<hbm>>
    tpu.enqueue_indirect_dma source(%dma_start3A_281 : memref<100000x128xf32, #tpu.memory_space<hbm>>) target(%arg13 : memref<128x128xf32, #tpu.memory_space<vmem>>) offsets(%dma_start3A_278 : memref<128xi32, #tpu.memory_space<vmem>>) semaphore(%arg22 : memref<!tpu.dma_semaphore, #tpu.memory_space<semaphore_mem>>)
    %dma_wait3A_282 = arith.constant 2 : i32
    %dma_wait3A_283 = arith.constant 0 : i32
    %dma_wait3A_284 = tpu.memref_slice %arg10[%dma_wait3A_282, %dma_wait3A_283] : memref<5x128xi32, #tpu.memory_space<vmem>> -> memref<1x128xi32, #tpu.memory_space<vmem>>
    %dma_wait3A_285 = tpu.memref_squeeze %dma_wait3A_284 : memref<1x128xi32, #tpu.memory_space<vmem>> -> memref<128xi32, #tpu.memory_space<vmem>>
    %dma_wait3A_286 = arith.constant 0 : i32
    %dma_wait3A_287 = arith.constant 0 : i32
    %dma_wait3A_288 = tpu.memref_slice %arg4[%dma_wait3A_286, %dma_wait3A_287] : memref<100000x128xf32, #tpu.memory_space<hbm>> -> memref<100000x128xf32, #tpu.memory_space<hbm>>
    tpu.wait_indirect_dma semaphore(%arg22 : memref<!tpu.dma_semaphore, #tpu.memory_space<semaphore_mem>>) src(%dma_wait3A_288 : memref<100000x128xf32, #tpu.memory_space<hbm>>) dst(%arg13 : memref<128x128xf32, #tpu.memory_space<vmem>>)
    %add3A_289 = arith.constant 256 : i32
    %add3A_290 = arith.addi %add3A_4, %add3A_289 : i32
    %sub3A = arith.constant 32 : i32
    %sub3A_291 = arith.subi %add3A_290, %sub3A : i32
    %dma_start3A_292 = arith.constant 0 : i32
    %dma_start3A_293 = arith.constant 0 : i32
    %dma_start3A_294 = tpu.memref_slice %arg13[%dma_start3A_292, %dma_start3A_293] : memref<128x128xf32, #tpu.memory_space<vmem>> -> memref<128x128xf32, #tpu.memory_space<vmem>>
    %dma_start3A_295 = arith.constant 0 : i32
    %dma_start3A_296 = tpu.memref_slice %arg6[%sub3A_291, %dma_start3A_295] : memref<17408x128xf32, #tpu.memory_space<hbm>> -> memref<128x128xf32, #tpu.memory_space<hbm>>
    %dma_start3A_297 = arith.constant 0 : i32
    %dma_start3A_298 = tpu.memref_slice %arg6[%sub3A_291, %dma_start3A_297] : memref<17408x128xf32, #tpu.memory_space<hbm>> -> memref<128x128xf32, #tpu.memory_space<hbm>>
    %dma_start3A_299 = arith.constant 0 : i32
    %dma_start3A_300 = arith.constant 0 : i32
    %dma_start3A_301 = tpu.memref_slice %arg13[%dma_start3A_299, %dma_start3A_300] : memref<128x128xf32, #tpu.memory_space<vmem>> -> memref<128x128xf32, #tpu.memory_space<vmem>>
    tpu.enqueue_dma source(%dma_start3A_301 : memref<128x128xf32, #tpu.memory_space<vmem>>) target(%dma_start3A_298 : memref<128x128xf32, #tpu.memory_space<hbm>>) target_semaphore(%arg24 : memref<!tpu.dma_semaphore, #tpu.memory_space<semaphore_mem>>)
    %dma_wait3A_302 = arith.constant 0 : i32
    %dma_wait3A_303 = arith.constant 0 : i32
    %dma_wait3A_304 = tpu.memref_slice %arg4[%dma_wait3A_302, %dma_wait3A_303] : memref<100000x128xf32, #tpu.memory_space<hbm>> -> memref<128x128xf32, #tpu.memory_space<hbm>>
    %dma_wait3A_305 = arith.constant 0 : i32
    %dma_wait3A_306 = arith.constant 0 : i32
    %dma_wait3A_307 = tpu.memref_slice %arg4[%dma_wait3A_305, %dma_wait3A_306] : memref<100000x128xf32, #tpu.memory_space<hbm>> -> memref<128x128xf32, #tpu.memory_space<hbm>>
    tpu.wait_dma2 semaphore(%arg25 : memref<!tpu.dma_semaphore, #tpu.memory_space<semaphore_mem>>) src(%dma_wait3A_307 : memref<128x128xf32, #tpu.memory_space<hbm>>) dst(%arg14 : memref<128x128xf32, #tpu.memory_space<vmem>>)
    %dma_start3A_308 = arith.constant 3 : i32
    %dma_start3A_309 = arith.constant 0 : i32
    %dma_start3A_310 = tpu.memref_slice %arg10[%dma_start3A_308, %dma_start3A_309] : memref<5x128xi32, #tpu.memory_space<vmem>> -> memref<1x128xi32, #tpu.memory_space<vmem>>
    %dma_start3A_311 = tpu.memref_squeeze %dma_start3A_310 : memref<1x128xi32, #tpu.memory_space<vmem>> -> memref<128xi32, #tpu.memory_space<vmem>>
    %dma_start3A_312 = arith.constant 0 : i32
    %dma_start3A_313 = arith.constant 0 : i32
    %dma_start3A_314 = tpu.memref_slice %arg4[%dma_start3A_312, %dma_start3A_313] : memref<100000x128xf32, #tpu.memory_space<hbm>> -> memref<100000x128xf32, #tpu.memory_space<hbm>>
    tpu.enqueue_indirect_dma source(%dma_start3A_314 : memref<100000x128xf32, #tpu.memory_space<hbm>>) target(%arg14 : memref<128x128xf32, #tpu.memory_space<vmem>>) offsets(%dma_start3A_311 : memref<128xi32, #tpu.memory_space<vmem>>) semaphore(%arg23 : memref<!tpu.dma_semaphore, #tpu.memory_space<semaphore_mem>>)
    %dma_wait3A_315 = arith.constant 3 : i32
    %dma_wait3A_316 = arith.constant 0 : i32
    %dma_wait3A_317 = tpu.memref_slice %arg10[%dma_wait3A_315, %dma_wait3A_316] : memref<5x128xi32, #tpu.memory_space<vmem>> -> memref<1x128xi32, #tpu.memory_space<vmem>>
    %dma_wait3A_318 = tpu.memref_squeeze %dma_wait3A_317 : memref<1x128xi32, #tpu.memory_space<vmem>> -> memref<128xi32, #tpu.memory_space<vmem>>
    %dma_wait3A_319 = arith.constant 0 : i32
    %dma_wait3A_320 = arith.constant 0 : i32
    %dma_wait3A_321 = tpu.memref_slice %arg4[%dma_wait3A_319, %dma_wait3A_320] : memref<100000x128xf32, #tpu.memory_space<hbm>> -> memref<100000x128xf32, #tpu.memory_space<hbm>>
    tpu.wait_indirect_dma semaphore(%arg23 : memref<!tpu.dma_semaphore, #tpu.memory_space<semaphore_mem>>) src(%dma_wait3A_321 : memref<100000x128xf32, #tpu.memory_space<hbm>>) dst(%arg14 : memref<128x128xf32, #tpu.memory_space<vmem>>)
    %add3A_322 = arith.constant 384 : i32
    %add3A_323 = arith.addi %add3A_4, %add3A_322 : i32
    %sub3A_324 = arith.constant 32 : i32
    %sub3A_325 = arith.subi %add3A_323, %sub3A_324 : i32
    %dma_start3A_326 = arith.constant 0 : i32
    %dma_start3A_327 = arith.constant 0 : i32
    %dma_start3A_328 = tpu.memref_slice %arg14[%dma_start3A_326, %dma_start3A_327] : memref<128x128xf32, #tpu.memory_space<vmem>> -> memref<128x128xf32, #tpu.memory_space<vmem>>
    %dma_start3A_329 = arith.constant 0 : i32
    %dma_start3A_330 = tpu.memref_slice %arg6[%sub3A_325, %dma_start3A_329] : memref<17408x128xf32, #tpu.memory_space<hbm>> -> memref<128x128xf32, #tpu.memory_space<hbm>>
    %dma_start3A_331 = arith.constant 0 : i32
    %dma_start3A_332 = tpu.memref_slice %arg6[%sub3A_325, %dma_start3A_331] : memref<17408x128xf32, #tpu.memory_space<hbm>> -> memref<128x128xf32, #tpu.memory_space<hbm>>
    %dma_start3A_333 = arith.constant 0 : i32
    %dma_start3A_334 = arith.constant 0 : i32
    %dma_start3A_335 = tpu.memref_slice %arg14[%dma_start3A_333, %dma_start3A_334] : memref<128x128xf32, #tpu.memory_space<vmem>> -> memref<128x128xf32, #tpu.memory_space<vmem>>
    tpu.enqueue_dma source(%dma_start3A_335 : memref<128x128xf32, #tpu.memory_space<vmem>>) target(%dma_start3A_332 : memref<128x128xf32, #tpu.memory_space<hbm>>) target_semaphore(%arg25 : memref<!tpu.dma_semaphore, #tpu.memory_space<semaphore_mem>>)
    %dma_wait3A_336 = arith.constant 0 : i32
    %dma_wait3A_337 = arith.constant 0 : i32
    %dma_wait3A_338 = tpu.memref_slice %arg4[%dma_wait3A_336, %dma_wait3A_337] : memref<100000x128xf32, #tpu.memory_space<hbm>> -> memref<128x128xf32, #tpu.memory_space<hbm>>
    %dma_wait3A_339 = arith.constant 0 : i32
    %dma_wait3A_340 = arith.constant 0 : i32
    %dma_wait3A_341 = tpu.memref_slice %arg4[%dma_wait3A_339, %dma_wait3A_340] : memref<100000x128xf32, #tpu.memory_space<hbm>> -> memref<128x128xf32, #tpu.memory_space<hbm>>
    tpu.wait_dma2 semaphore(%arg24 : memref<!tpu.dma_semaphore, #tpu.memory_space<semaphore_mem>>) src(%dma_wait3A_341 : memref<128x128xf32, #tpu.memory_space<hbm>>) dst(%arg13 : memref<128x128xf32, #tpu.memory_space<vmem>>)
    %dma_start3A_342 = arith.constant 4 : i32
    %dma_start3A_343 = arith.constant 0 : i32
    %dma_start3A_344 = tpu.memref_slice %arg10[%dma_start3A_342, %dma_start3A_343] : memref<5x128xi32, #tpu.memory_space<vmem>> -> memref<1x128xi32, #tpu.memory_space<vmem>>
    %dma_start3A_345 = tpu.memref_squeeze %dma_start3A_344 : memref<1x128xi32, #tpu.memory_space<vmem>> -> memref<128xi32, #tpu.memory_space<vmem>>
    %dma_start3A_346 = arith.constant 0 : i32
    %dma_start3A_347 = arith.constant 0 : i32
    %dma_start3A_348 = tpu.memref_slice %arg4[%dma_start3A_346, %dma_start3A_347] : memref<100000x128xf32, #tpu.memory_space<hbm>> -> memref<100000x128xf32, #tpu.memory_space<hbm>>
    tpu.enqueue_indirect_dma source(%dma_start3A_348 : memref<100000x128xf32, #tpu.memory_space<hbm>>) target(%arg13 : memref<128x128xf32, #tpu.memory_space<vmem>>) offsets(%dma_start3A_345 : memref<128xi32, #tpu.memory_space<vmem>>) semaphore(%arg22 : memref<!tpu.dma_semaphore, #tpu.memory_space<semaphore_mem>>)
    %dma_wait3A_349 = arith.constant 4 : i32
    %dma_wait3A_350 = arith.constant 0 : i32
    %dma_wait3A_351 = tpu.memref_slice %arg10[%dma_wait3A_349, %dma_wait3A_350] : memref<5x128xi32, #tpu.memory_space<vmem>> -> memref<1x128xi32, #tpu.memory_space<vmem>>
    %dma_wait3A_352 = tpu.memref_squeeze %dma_wait3A_351 : memref<1x128xi32, #tpu.memory_space<vmem>> -> memref<128xi32, #tpu.memory_space<vmem>>
    %dma_wait3A_353 = arith.constant 0 : i32
    %dma_wait3A_354 = arith.constant 0 : i32
    %dma_wait3A_355 = tpu.memref_slice %arg4[%dma_wait3A_353, %dma_wait3A_354] : memref<100000x128xf32, #tpu.memory_space<hbm>> -> memref<100000x128xf32, #tpu.memory_space<hbm>>
    tpu.wait_indirect_dma semaphore(%arg22 : memref<!tpu.dma_semaphore, #tpu.memory_space<semaphore_mem>>) src(%dma_wait3A_355 : memref<100000x128xf32, #tpu.memory_space<hbm>>) dst(%arg13 : memref<128x128xf32, #tpu.memory_space<vmem>>)
    %add3A_356 = arith.constant 512 : i32
    %add3A_357 = arith.addi %add3A_4, %add3A_356 : i32
    %sub3A_358 = arith.constant 32 : i32
    %sub3A_359 = arith.subi %add3A_357, %sub3A_358 : i32
    %dma_start3A_360 = arith.constant 0 : i32
    %dma_start3A_361 = arith.constant 0 : i32
    %dma_start3A_362 = tpu.memref_slice %arg13[%dma_start3A_360, %dma_start3A_361] : memref<128x128xf32, #tpu.memory_space<vmem>> -> memref<32x128xf32, #tpu.memory_space<vmem>>
    %dma_start3A_363 = arith.constant 0 : i32
    %dma_start3A_364 = tpu.memref_slice %arg6[%sub3A_359, %dma_start3A_363] : memref<17408x128xf32, #tpu.memory_space<hbm>> -> memref<32x128xf32, #tpu.memory_space<hbm>>
    %dma_start3A_365 = arith.constant 0 : i32
    %dma_start3A_366 = tpu.memref_slice %arg6[%sub3A_359, %dma_start3A_365] : memref<17408x128xf32, #tpu.memory_space<hbm>> -> memref<32x128xf32, #tpu.memory_space<hbm>>
    %dma_start3A_367 = arith.constant 0 : i32
    %dma_start3A_368 = arith.constant 0 : i32
    %dma_start3A_369 = tpu.memref_slice %arg13[%dma_start3A_367, %dma_start3A_368] : memref<128x128xf32, #tpu.memory_space<vmem>> -> memref<32x128xf32, #tpu.memory_space<vmem>>
    tpu.enqueue_dma source(%dma_start3A_369 : memref<32x128xf32, #tpu.memory_space<vmem>>) target(%dma_start3A_366 : memref<32x128xf32, #tpu.memory_space<hbm>>) target_semaphore(%arg24 : memref<!tpu.dma_semaphore, #tpu.memory_space<semaphore_mem>>)
    %scan3A_370 = arith.constant 0 : i32
    %scan3A_371 = arith.constant 0 : i32
    %scan3A_372 = arith.constant 17 : i32
    %scan3A_373 = arith.addi %scan3A_371, %scan3A_372 : i32
    %scan3A_374 = arith.constant 1 : i32
    scf.for %scan3A_406 = %scan3A_371 to %scan3A_373 step %scan3A_374  : i32 {
      %mul3A_407 = arith.constant 4 : i32
      %mul3A_408 = arith.muli %mul3A_407, %scan3A_406 : i32
      %add3A_409 = arith.constant 0 : i32
      %add3A_410 = arith.addi %mul3A_408, %add3A_409 : i32
      %dma_wait3A_411 = arith.constant 0 : i32
      %dma_wait3A_412 = arith.constant 0 : i32
      %dma_wait3A_413 = tpu.memref_slice %arg5[%dma_wait3A_411, %dma_wait3A_412] : memref<100000x128xbf16, #tpu.memory_space<hbm>> -> memref<128x128xbf16, #tpu.memory_space<hbm>>
      %dma_wait3A_414 = arith.constant 0 : i32
      %dma_wait3A_415 = arith.constant 0 : i32
      %dma_wait3A_416 = tpu.memref_slice %arg5[%dma_wait3A_414, %dma_wait3A_415] : memref<100000x128xbf16, #tpu.memory_space<hbm>> -> memref<128x128xbf16, #tpu.memory_space<hbm>>
      tpu.wait_dma2 semaphore(%arg26 : memref<!tpu.dma_semaphore, #tpu.memory_space<semaphore_mem>>) src(%dma_wait3A_416 : memref<128x128xbf16, #tpu.memory_space<hbm>>) dst(%arg15 : memref<128x128xbf16, #tpu.memory_space<vmem>>)
      %gt3A = arith.constant 0 : i32
      %gt3A_417 = arith.cmpi sgt, %scan3A_406, %gt3A : i32
      %convert_element_type3A = arith.extui %gt3A_417 : i1 to i32
      %cond3A = arith.constant 0 : i32
      %cond3A_418 = arith.cmpi ne, %convert_element_type3A, %cond3A : i32
      scf.if %cond3A_418 {
        %dma_wait3A_538 = arith.constant 0 : i32
        %dma_wait3A_539 = arith.constant 0 : i32
        %dma_wait3A_540 = tpu.memref_slice %arg7[%dma_wait3A_538, %dma_wait3A_539] : memref<17408x128xbf16, #tpu.memory_space<hbm>> -> memref<16x128xbf16, #tpu.memory_space<hbm>>
        %dma_wait3A_541 = arith.constant 0 : i32
        %dma_wait3A_542 = arith.constant 0 : i32
        %dma_wait3A_543 = tpu.memref_slice %arg7[%dma_wait3A_541, %dma_wait3A_542] : memref<17408x128xbf16, #tpu.memory_space<hbm>> -> memref<16x128xbf16, #tpu.memory_space<hbm>>
        tpu.wait_dma2 semaphore(%arg30 : memref<!tpu.dma_semaphore, #tpu.memory_space<semaphore_mem>>) src(%dma_wait3A_543 : memref<16x128xbf16, #tpu.memory_space<hbm>>) dst(%arg19 : memref<16x128xbf16, #tpu.memory_space<vmem>>)
      } else {
      }
      %scan3A_419 = arith.constant 0 : i32
      %scan3A_420 = arith.constant 0 : i32
      %scan3A_421 = arith.constant 8 : i32
      %scan3A_422 = arith.addi %scan3A_420, %scan3A_421 : i32
      %scan3A_423 = arith.constant 1 : i32
      scf.for %scan3A_538 = %scan3A_420 to %scan3A_422 step %scan3A_423  : i32 {
        %mul3A_539 = arith.constant 16 : i32
        %mul3A_540 = arith.muli %scan3A_538, %mul3A_539 : i32
        %get3A_541 = arith.index_cast %mul3A_540 : i32 to index
        %get3A_542 = arith.constant 0 : index
        %get3A_543 = tpu.vector_load %arg15[%get3A_541, %get3A_542] {strides = array<i32>} : memref<128x128xbf16, #tpu.memory_space<vmem>>, vector<1x32xbf16>,
        %get3A_544 = vector.shape_cast %get3A_543 : vector<1x32xbf16> to vector<32xbf16>
        %mul3A_545 = arith.constant 16 : i32
        %mul3A_546 = arith.muli %scan3A_538, %mul3A_545 : i32
        %get3A_547 = arith.index_cast %mul3A_546 : i32 to index
        %get3A_548 = arith.constant 32 : index
        %get3A_549 = tpu.vector_load %arg15[%get3A_547, %get3A_548] {strides = array<i32>} : memref<128x128xbf16, #tpu.memory_space<vmem>>, vector<1x32xbf16>,
        %get3A_550 = vector.shape_cast %get3A_549 : vector<1x32xbf16> to vector<32xbf16>
        %mul3A_551 = arith.constant 16 : i32
        %mul3A_552 = arith.muli %scan3A_538, %mul3A_551 : i32
        %get3A_553 = arith.index_cast %mul3A_552 : i32 to index
        %get3A_554 = arith.constant 64 : index
        %get3A_555 = tpu.vector_load %arg15[%get3A_553, %get3A_554] {strides = array<i32>} : memref<128x128xbf16, #tpu.memory_space<vmem>>, vector<1x32xbf16>,
        %get3A_556 = vector.shape_cast %get3A_555 : vector<1x32xbf16> to vector<32xbf16>
        %mul3A_557 = arith.constant 16 : i32
        %mul3A_558 = arith.muli %scan3A_538, %mul3A_557 : i32
        %get3A_559 = arith.index_cast %mul3A_558 : i32 to index
        %get3A_560 = arith.constant 96 : index
        %get3A_561 = tpu.vector_load %arg15[%get3A_559, %get3A_560] {strides = array<i32>} : memref<128x128xbf16, #tpu.memory_space<vmem>>, vector<1x32xbf16>,
        %get3A_562 = vector.shape_cast %get3A_561 : vector<1x32xbf16> to vector<32xbf16>
        %scan3A_563 = arith.constant 1 : i32
        %scan3A_564 = arith.constant 15 : i32
        %scan3A_565 = arith.addi %scan3A_563, %scan3A_564 : i32
        %scan3A_566 = arith.constant 1 : i32
        %scan3A_567:4 = scf.for %scan3A_597 = %scan3A_563 to %scan3A_565 step %scan3A_566 iter_args(%scan3A_598 = %get3A_544, %scan3A_599 = %get3A_550, %scan3A_600 = %get3A_556, %scan3A_601 = %get3A_562) -> (vector<32xbf16>, vector<32xbf16>, vector<32xbf16>, vector<32xbf16>)  : i32 {
          %mul3A_602 = arith.constant 16 : i32
          %mul3A_603 = arith.muli %scan3A_538, %mul3A_602 : i32
          %add3A_604 = arith.addi %mul3A_603, %scan3A_597 : i32
          %get3A_605 = arith.index_cast %add3A_604 : i32 to index
          %get3A_606 = arith.constant 0 : index
          %get3A_607 = tpu.vector_load %arg15[%get3A_605, %get3A_606] {strides = array<i32>} : memref<128x128xbf16, #tpu.memory_space<vmem>>, vector<1x32xbf16>,
          %get3A_608 = vector.shape_cast %get3A_607 : vector<1x32xbf16> to vector<32xbf16>
          %max3A = arith.maximumf %scan3A_598, %get3A_608 : vector<32xbf16>
          %mul3A_609 = arith.constant 16 : i32
          %mul3A_610 = arith.muli %scan3A_538, %mul3A_609 : i32
          %add3A_611 = arith.addi %mul3A_610, %scan3A_597 : i32
          %get3A_612 = arith.index_cast %add3A_611 : i32 to index
          %get3A_613 = arith.constant 32 : index
          %get3A_614 = tpu.vector_load %arg15[%get3A_612, %get3A_613] {strides = array<i32>} : memref<128x128xbf16, #tpu.memory_space<vmem>>, vector<1x32xbf16>,
          %get3A_615 = vector.shape_cast %get3A_614 : vector<1x32xbf16> to vector<32xbf16>
          %max3A_616 = arith.maximumf %scan3A_599, %get3A_615 : vector<32xbf16>
          %mul3A_617 = arith.constant 16 : i32
          %mul3A_618 = arith.muli %scan3A_538, %mul3A_617 : i32
          %add3A_619 = arith.addi %mul3A_618, %scan3A_597 : i32
          %get3A_620 = arith.index_cast %add3A_619 : i32 to index
          %get3A_621 = arith.constant 64 : index
          %get3A_622 = tpu.vector_load %arg15[%get3A_620, %get3A_621] {strides = array<i32>} : memref<128x128xbf16, #tpu.memory_space<vmem>>, vector<1x32xbf16>,
          %get3A_623 = vector.shape_cast %get3A_622 : vector<1x32xbf16> to vector<32xbf16>
          %max3A_624 = arith.maximumf %scan3A_600, %get3A_623 : vector<32xbf16>
          %mul3A_625 = arith.constant 16 : i32
          %mul3A_626 = arith.muli %scan3A_538, %mul3A_625 : i32
          %add3A_627 = arith.addi %mul3A_626, %scan3A_597 : i32
          %get3A_628 = arith.index_cast %add3A_627 : i32 to index
          %get3A_629 = arith.constant 96 : index
          %get3A_630 = tpu.vector_load %arg15[%get3A_628, %get3A_629] {strides = array<i32>} : memref<128x128xbf16, #tpu.memory_space<vmem>>, vector<1x32xbf16>,
          %get3A_631 = vector.shape_cast %get3A_630 : vector<1x32xbf16> to vector<32xbf16>
          %max3A_632 = arith.maximumf %scan3A_601, %get3A_631 : vector<32xbf16>
          scf.yield %max3A, %max3A_616, %max3A_624, %max3A_632 : vector<32xbf16>, vector<32xbf16>, vector<32xbf16>, vector<32xbf16>
        }
        %scan3A_568 = arith.constant 15 : i32
        %add3A_569 = arith.constant 0 : i32
        %add3A_570 = arith.addi %add3A_569, %scan3A_538 : i32
        %swap3A_571 = arith.index_cast %add3A_570 : i32 to index
        %swap3A_572 = arith.constant 0 : index
        %swap3A_573 = tpu.vector_load %arg19[%swap3A_571, %swap3A_572] {strides = array<i32>} : memref<16x128xbf16, #tpu.memory_space<vmem>>, vector<1x32xbf16>,
        %swap3A_574 = vector.shape_cast %swap3A_573 : vector<1x32xbf16> to vector<32xbf16>
        %swap3A_575 = vector.shape_cast %scan3A_567#0 : vector<32xbf16> to vector<1x32xbf16>
        tpu.vector_store %arg19[%swap3A_571, %swap3A_572], %swap3A_575 {strides = array<i32>} : memref<16x128xbf16, #tpu.memory_space<vmem>>, vector<1x32xbf16>,
        %add3A_576 = arith.constant 0 : i32
        %add3A_577 = arith.addi %add3A_576, %scan3A_538 : i32
        %swap3A_578 = arith.index_cast %add3A_577 : i32 to index
        %swap3A_579 = arith.constant 32 : index
        %swap3A_580 = tpu.vector_load %arg19[%swap3A_578, %swap3A_579] {strides = array<i32>} : memref<16x128xbf16, #tpu.memory_space<vmem>>, vector<1x32xbf16>,
        %swap3A_581 = vector.shape_cast %swap3A_580 : vector<1x32xbf16> to vector<32xbf16>
        %swap3A_582 = vector.shape_cast %scan3A_567#1 : vector<32xbf16> to vector<1x32xbf16>
        tpu.vector_store %arg19[%swap3A_578, %swap3A_579], %swap3A_582 {strides = array<i32>} : memref<16x128xbf16, #tpu.memory_space<vmem>>, vector<1x32xbf16>,
        %add3A_583 = arith.constant 0 : i32
        %add3A_584 = arith.addi %add3A_583, %scan3A_538 : i32
        %swap3A_585 = arith.index_cast %add3A_584 : i32 to index
        %swap3A_586 = arith.constant 64 : index
        %swap3A_587 = tpu.vector_load %arg19[%swap3A_585, %swap3A_586] {strides = array<i32>} : memref<16x128xbf16, #tpu.memory_space<vmem>>, vector<1x32xbf16>,
        %swap3A_588 = vector.shape_cast %swap3A_587 : vector<1x32xbf16> to vector<32xbf16>
        %swap3A_589 = vector.shape_cast %scan3A_567#2 : vector<32xbf16> to vector<1x32xbf16>
        tpu.vector_store %arg19[%swap3A_585, %swap3A_586], %swap3A_589 {strides = array<i32>} : memref<16x128xbf16, #tpu.memory_space<vmem>>, vector<1x32xbf16>,
        %add3A_590 = arith.constant 0 : i32
        %add3A_591 = arith.addi %add3A_590, %scan3A_538 : i32
        %swap3A_592 = arith.index_cast %add3A_591 : i32 to index
        %swap3A_593 = arith.constant 96 : index
        %swap3A_594 = tpu.vector_load %arg19[%swap3A_592, %swap3A_593] {strides = array<i32>} : memref<16x128xbf16, #tpu.memory_space<vmem>>, vector<1x32xbf16>,
        %swap3A_595 = vector.shape_cast %swap3A_594 : vector<1x32xbf16> to vector<32xbf16>
        %swap3A_596 = vector.shape_cast %scan3A_567#3 : vector<32xbf16> to vector<1x32xbf16>
        tpu.vector_store %arg19[%swap3A_592, %swap3A_593], %swap3A_596 {strides = array<i32>} : memref<16x128xbf16, #tpu.memory_space<vmem>>, vector<1x32xbf16>,
      }
      %scan3A_424 = arith.constant 8 : i32
      %lt3A = arith.constant 16 : i32
      %lt3A_425 = arith.cmpi slt, %scan3A_406, %lt3A : i32
      %convert_element_type3A_426 = arith.extui %lt3A_425 : i1 to i32
      %cond3A_427 = arith.constant 0 : i32
      %cond3A_428 = arith.cmpi ne, %convert_element_type3A_426, %cond3A_427 : i32
      scf.if %cond3A_428 {
        %add3A_538 = arith.constant 4 : i32
        %add3A_539 = arith.addi %add3A_410, %add3A_538 : i32
        %dma_start3A_540 = arith.constant 0 : i32
        %dma_start3A_541 = tpu.memref_slice %arg12[%add3A_539, %dma_start3A_540] : memref<68x128xi32, #tpu.memory_space<vmem>> -> memref<1x128xi32, #tpu.memory_space<vmem>>
        %dma_start3A_542 = tpu.memref_squeeze %dma_start3A_541 : memref<1x128xi32, #tpu.memory_space<vmem>> -> memref<128xi32, #tpu.memory_space<vmem>>
        %dma_start3A_543 = arith.constant 0 : i32
        %dma_start3A_544 = arith.constant 0 : i32
        %dma_start3A_545 = tpu.memref_slice %arg5[%dma_start3A_543, %dma_start3A_544] : memref<100000x128xbf16, #tpu.memory_space<hbm>> -> memref<100000x128xbf16, #tpu.memory_space<hbm>>
        tpu.enqueue_indirect_dma source(%dma_start3A_545 : memref<100000x128xbf16, #tpu.memory_space<hbm>>) target(%arg15 : memref<128x128xbf16, #tpu.memory_space<vmem>>) offsets(%dma_start3A_542 : memref<128xi32, #tpu.memory_space<vmem>>) semaphore(%arg26 : memref<!tpu.dma_semaphore, #tpu.memory_space<semaphore_mem>>)
      } else {
      }
      %mul3A_429 = arith.constant 4 : i32
      %mul3A_430 = arith.muli %mul3A_429, %scan3A_406 : i32
      %add3A_431 = arith.constant 1 : i32
      %add3A_432 = arith.addi %mul3A_430, %add3A_431 : i32
      %dma_wait3A_433 = arith.constant 0 : i32
      %dma_wait3A_434 = arith.constant 0 : i32
      %dma_wait3A_435 = tpu.memref_slice %arg5[%dma_wait3A_433, %dma_wait3A_434] : memref<100000x128xbf16, #tpu.memory_space<hbm>> -> memref<128x128xbf16, #tpu.memory_space<hbm>>
      %dma_wait3A_436 = arith.constant 0 : i32
      %dma_wait3A_437 = arith.constant 0 : i32
      %dma_wait3A_438 = tpu.memref_slice %arg5[%dma_wait3A_436, %dma_wait3A_437] : memref<100000x128xbf16, #tpu.memory_space<hbm>> -> memref<128x128xbf16, #tpu.memory_space<hbm>>
      tpu.wait_dma2 semaphore(%arg27 : memref<!tpu.dma_semaphore, #tpu.memory_space<semaphore_mem>>) src(%dma_wait3A_438 : memref<128x128xbf16, #tpu.memory_space<hbm>>) dst(%arg16 : memref<128x128xbf16, #tpu.memory_space<vmem>>)
      %scan3A_439 = arith.constant 0 : i32
      %scan3A_440 = arith.constant 0 : i32
      %scan3A_441 = arith.constant 8 : i32
      %scan3A_442 = arith.addi %scan3A_440, %scan3A_441 : i32
      %scan3A_443 = arith.constant 1 : i32
      scf.for %scan3A_538 = %scan3A_440 to %scan3A_442 step %scan3A_443  : i32 {
        %mul3A_539 = arith.constant 16 : i32
        %mul3A_540 = arith.muli %scan3A_538, %mul3A_539 : i32
        %get3A_541 = arith.index_cast %mul3A_540 : i32 to index
        %get3A_542 = arith.constant 0 : index
        %get3A_543 = tpu.vector_load %arg16[%get3A_541, %get3A_542] {strides = array<i32>} : memref<128x128xbf16, #tpu.memory_space<vmem>>, vector<1x32xbf16>,
        %get3A_544 = vector.shape_cast %get3A_543 : vector<1x32xbf16> to vector<32xbf16>
        %mul3A_545 = arith.constant 16 : i32
        %mul3A_546 = arith.muli %scan3A_538, %mul3A_545 : i32
        %get3A_547 = arith.index_cast %mul3A_546 : i32 to index
        %get3A_548 = arith.constant 32 : index
        %get3A_549 = tpu.vector_load %arg16[%get3A_547, %get3A_548] {strides = array<i32>} : memref<128x128xbf16, #tpu.memory_space<vmem>>, vector<1x32xbf16>,
        %get3A_550 = vector.shape_cast %get3A_549 : vector<1x32xbf16> to vector<32xbf16>
        %mul3A_551 = arith.constant 16 : i32
        %mul3A_552 = arith.muli %scan3A_538, %mul3A_551 : i32
        %get3A_553 = arith.index_cast %mul3A_552 : i32 to index
        %get3A_554 = arith.constant 64 : index
        %get3A_555 = tpu.vector_load %arg16[%get3A_553, %get3A_554] {strides = array<i32>} : memref<128x128xbf16, #tpu.memory_space<vmem>>, vector<1x32xbf16>,
        %get3A_556 = vector.shape_cast %get3A_555 : vector<1x32xbf16> to vector<32xbf16>
        %mul3A_557 = arith.constant 16 : i32
        %mul3A_558 = arith.muli %scan3A_538, %mul3A_557 : i32
        %get3A_559 = arith.index_cast %mul3A_558 : i32 to index
        %get3A_560 = arith.constant 96 : index
        %get3A_561 = tpu.vector_load %arg16[%get3A_559, %get3A_560] {strides = array<i32>} : memref<128x128xbf16, #tpu.memory_space<vmem>>, vector<1x32xbf16>,
        %get3A_562 = vector.shape_cast %get3A_561 : vector<1x32xbf16> to vector<32xbf16>
        %scan3A_563 = arith.constant 1 : i32
        %scan3A_564 = arith.constant 15 : i32
        %scan3A_565 = arith.addi %scan3A_563, %scan3A_564 : i32
        %scan3A_566 = arith.constant 1 : i32
        %scan3A_567:4 = scf.for %scan3A_597 = %scan3A_563 to %scan3A_565 step %scan3A_566 iter_args(%scan3A_598 = %get3A_544, %scan3A_599 = %get3A_550, %scan3A_600 = %get3A_556, %scan3A_601 = %get3A_562) -> (vector<32xbf16>, vector<32xbf16>, vector<32xbf16>, vector<32xbf16>)  : i32 {
          %mul3A_602 = arith.constant 16 : i32
          %mul3A_603 = arith.muli %scan3A_538, %mul3A_602 : i32
          %add3A_604 = arith.addi %mul3A_603, %scan3A_597 : i32
          %get3A_605 = arith.index_cast %add3A_604 : i32 to index
          %get3A_606 = arith.constant 0 : index
          %get3A_607 = tpu.vector_load %arg16[%get3A_605, %get3A_606] {strides = array<i32>} : memref<128x128xbf16, #tpu.memory_space<vmem>>, vector<1x32xbf16>,
          %get3A_608 = vector.shape_cast %get3A_607 : vector<1x32xbf16> to vector<32xbf16>
          %max3A = arith.maximumf %scan3A_598, %get3A_608 : vector<32xbf16>
          %mul3A_609 = arith.constant 16 : i32
          %mul3A_610 = arith.muli %scan3A_538, %mul3A_609 : i32
          %add3A_611 = arith.addi %mul3A_610, %scan3A_597 : i32
          %get3A_612 = arith.index_cast %add3A_611 : i32 to index
          %get3A_613 = arith.constant 32 : index
          %get3A_614 = tpu.vector_load %arg16[%get3A_612, %get3A_613] {strides = array<i32>} : memref<128x128xbf16, #tpu.memory_space<vmem>>, vector<1x32xbf16>,
          %get3A_615 = vector.shape_cast %get3A_614 : vector<1x32xbf16> to vector<32xbf16>
          %max3A_616 = arith.maximumf %scan3A_599, %get3A_615 : vector<32xbf16>
          %mul3A_617 = arith.constant 16 : i32
          %mul3A_618 = arith.muli %scan3A_538, %mul3A_617 : i32
          %add3A_619 = arith.addi %mul3A_618, %scan3A_597 : i32
          %get3A_620 = arith.index_cast %add3A_619 : i32 to index
          %get3A_621 = arith.constant 64 : index
          %get3A_622 = tpu.vector_load %arg16[%get3A_620, %get3A_621] {strides = array<i32>} : memref<128x128xbf16, #tpu.memory_space<vmem>>, vector<1x32xbf16>,
          %get3A_623 = vector.shape_cast %get3A_622 : vector<1x32xbf16> to vector<32xbf16>
          %max3A_624 = arith.maximumf %scan3A_600, %get3A_623 : vector<32xbf16>
          %mul3A_625 = arith.constant 16 : i32
          %mul3A_626 = arith.muli %scan3A_538, %mul3A_625 : i32
          %add3A_627 = arith.addi %mul3A_626, %scan3A_597 : i32
          %get3A_628 = arith.index_cast %add3A_627 : i32 to index
          %get3A_629 = arith.constant 96 : index
          %get3A_630 = tpu.vector_load %arg16[%get3A_628, %get3A_629] {strides = array<i32>} : memref<128x128xbf16, #tpu.memory_space<vmem>>, vector<1x32xbf16>,
          %get3A_631 = vector.shape_cast %get3A_630 : vector<1x32xbf16> to vector<32xbf16>
          %max3A_632 = arith.maximumf %scan3A_601, %get3A_631 : vector<32xbf16>
          scf.yield %max3A, %max3A_616, %max3A_624, %max3A_632 : vector<32xbf16>, vector<32xbf16>, vector<32xbf16>, vector<32xbf16>
        }
        %scan3A_568 = arith.constant 15 : i32
        %add3A_569 = arith.constant 8 : i32
        %add3A_570 = arith.addi %add3A_569, %scan3A_538 : i32
        %swap3A_571 = arith.index_cast %add3A_570 : i32 to index
        %swap3A_572 = arith.constant 0 : index
        %swap3A_573 = tpu.vector_load %arg19[%swap3A_571, %swap3A_572] {strides = array<i32>} : memref<16x128xbf16, #tpu.memory_space<vmem>>, vector<1x32xbf16>,
        %swap3A_574 = vector.shape_cast %swap3A_573 : vector<1x32xbf16> to vector<32xbf16>
        %swap3A_575 = vector.shape_cast %scan3A_567#0 : vector<32xbf16> to vector<1x32xbf16>
        tpu.vector_store %arg19[%swap3A_571, %swap3A_572], %swap3A_575 {strides = array<i32>} : memref<16x128xbf16, #tpu.memory_space<vmem>>, vector<1x32xbf16>,
        %add3A_576 = arith.constant 8 : i32
        %add3A_577 = arith.addi %add3A_576, %scan3A_538 : i32
        %swap3A_578 = arith.index_cast %add3A_577 : i32 to index
        %swap3A_579 = arith.constant 32 : index
        %swap3A_580 = tpu.vector_load %arg19[%swap3A_578, %swap3A_579] {strides = array<i32>} : memref<16x128xbf16, #tpu.memory_space<vmem>>, vector<1x32xbf16>,
        %swap3A_581 = vector.shape_cast %swap3A_580 : vector<1x32xbf16> to vector<32xbf16>
        %swap3A_582 = vector.shape_cast %scan3A_567#1 : vector<32xbf16> to vector<1x32xbf16>
        tpu.vector_store %arg19[%swap3A_578, %swap3A_579], %swap3A_582 {strides = array<i32>} : memref<16x128xbf16, #tpu.memory_space<vmem>>, vector<1x32xbf16>,
        %add3A_583 = arith.constant 8 : i32
        %add3A_584 = arith.addi %add3A_583, %scan3A_538 : i32
        %swap3A_585 = arith.index_cast %add3A_584 : i32 to index
        %swap3A_586 = arith.constant 64 : index
        %swap3A_587 = tpu.vector_load %arg19[%swap3A_585, %swap3A_586] {strides = array<i32>} : memref<16x128xbf16, #tpu.memory_space<vmem>>, vector<1x32xbf16>,
        %swap3A_588 = vector.shape_cast %swap3A_587 : vector<1x32xbf16> to vector<32xbf16>
        %swap3A_589 = vector.shape_cast %scan3A_567#2 : vector<32xbf16> to vector<1x32xbf16>
        tpu.vector_store %arg19[%swap3A_585, %swap3A_586], %swap3A_589 {strides = array<i32>} : memref<16x128xbf16, #tpu.memory_space<vmem>>, vector<1x32xbf16>,
        %add3A_590 = arith.constant 8 : i32
        %add3A_591 = arith.addi %add3A_590, %scan3A_538 : i32
        %swap3A_592 = arith.index_cast %add3A_591 : i32 to index
        %swap3A_593 = arith.constant 96 : index
        %swap3A_594 = tpu.vector_load %arg19[%swap3A_592, %swap3A_593] {strides = array<i32>} : memref<16x128xbf16, #tpu.memory_space<vmem>>, vector<1x32xbf16>,
        %swap3A_595 = vector.shape_cast %swap3A_594 : vector<1x32xbf16> to vector<32xbf16>
        %swap3A_596 = vector.shape_cast %scan3A_567#3 : vector<32xbf16> to vector<1x32xbf16>
        tpu.vector_store %arg19[%swap3A_592, %swap3A_593], %swap3A_596 {strides = array<i32>} : memref<16x128xbf16, #tpu.memory_space<vmem>>, vector<1x32xbf16>,
      }
      %scan3A_444 = arith.constant 8 : i32
      %mul3A_445 = arith.constant 2 : i32
      %mul3A_446 = arith.muli %mul3A_445, %scan3A_406 : i32
      %add3A_447 = arith.constant 0 : i32
      %add3A_448 = arith.addi %mul3A_446, %add3A_447 : i32
      %lt3A_449 = arith.constant 2 : i32
      %lt3A_450 = arith.cmpi slt, %add3A_448, %lt3A_449 : i32
      %mul3A_451 = arith.constant 32 : i32
      %mul3A_452 = arith.muli %add3A, %mul3A_451 : i32
      %mul3A_453 = arith.constant 16 : i32
      %mul3A_454 = arith.muli %add3A_448, %mul3A_453 : i32
      %add3A_455 = arith.addi %mul3A_452, %mul3A_454 : i32
      %sub3A_456 = arith.constant 2 : i32
      %sub3A_457 = arith.subi %add3A_448, %sub3A_456 : i32
      %mul3A_458 = arith.constant 16 : i32
      %mul3A_459 = arith.muli %sub3A_457, %mul3A_458 : i32
      %add3A_460 = arith.addi %add3A_4, %mul3A_459 : i32
      %select_n3A = arith.select %lt3A_450, %add3A_455, %add3A_460 : i32
      %dma_start3A_461 = arith.constant 0 : i32
      %dma_start3A_462 = tpu.memref_slice %arg7[%select_n3A, %dma_start3A_461] : memref<17408x128xbf16, #tpu.memory_space<hbm>> -> memref<16x128xbf16, #tpu.memory_space<hbm>>
      %dma_start3A_463 = arith.constant 0 : i32
      %dma_start3A_464 = tpu.memref_slice %arg7[%select_n3A, %dma_start3A_463] : memref<17408x128xbf16, #tpu.memory_space<hbm>> -> memref<16x128xbf16, #tpu.memory_space<hbm>>
      tpu.enqueue_dma source(%arg19 : memref<16x128xbf16, #tpu.memory_space<vmem>>) target(%dma_start3A_464 : memref<16x128xbf16, #tpu.memory_space<hbm>>) target_semaphore(%arg30 : memref<!tpu.dma_semaphore, #tpu.memory_space<semaphore_mem>>)
      %lt3A_465 = arith.constant 16 : i32
      %lt3A_466 = arith.cmpi slt, %scan3A_406, %lt3A_465 : i32
      %convert_element_type3A_467 = arith.extui %lt3A_466 : i1 to i32
      %cond3A_468 = arith.constant 0 : i32
      %cond3A_469 = arith.cmpi ne, %convert_element_type3A_467, %cond3A_468 : i32
      scf.if %cond3A_469 {
        %add3A_538 = arith.constant 4 : i32
        %add3A_539 = arith.addi %add3A_432, %add3A_538 : i32
        %dma_start3A_540 = arith.constant 0 : i32
        %dma_start3A_541 = tpu.memref_slice %arg12[%add3A_539, %dma_start3A_540] : memref<68x128xi32, #tpu.memory_space<vmem>> -> memref<1x128xi32, #tpu.memory_space<vmem>>
        %dma_start3A_542 = tpu.memref_squeeze %dma_start3A_541 : memref<1x128xi32, #tpu.memory_space<vmem>> -> memref<128xi32, #tpu.memory_space<vmem>>
        %dma_start3A_543 = arith.constant 0 : i32
        %dma_start3A_544 = arith.constant 0 : i32
        %dma_start3A_545 = tpu.memref_slice %arg5[%dma_start3A_543, %dma_start3A_544] : memref<100000x128xbf16, #tpu.memory_space<hbm>> -> memref<100000x128xbf16, #tpu.memory_space<hbm>>
        tpu.enqueue_indirect_dma source(%dma_start3A_545 : memref<100000x128xbf16, #tpu.memory_space<hbm>>) target(%arg16 : memref<128x128xbf16, #tpu.memory_space<vmem>>) offsets(%dma_start3A_542 : memref<128xi32, #tpu.memory_space<vmem>>) semaphore(%arg27 : memref<!tpu.dma_semaphore, #tpu.memory_space<semaphore_mem>>)
      } else {
      }
      %mul3A_470 = arith.constant 4 : i32
      %mul3A_471 = arith.muli %mul3A_470, %scan3A_406 : i32
      %add3A_472 = arith.constant 2 : i32
      %add3A_473 = arith.addi %mul3A_471, %add3A_472 : i32
      %dma_wait3A_474 = arith.constant 0 : i32
      %dma_wait3A_475 = arith.constant 0 : i32
      %dma_wait3A_476 = tpu.memref_slice %arg5[%dma_wait3A_474, %dma_wait3A_475] : memref<100000x128xbf16, #tpu.memory_space<hbm>> -> memref<128x128xbf16, #tpu.memory_space<hbm>>
      %dma_wait3A_477 = arith.constant 0 : i32
      %dma_wait3A_478 = arith.constant 0 : i32
      %dma_wait3A_479 = tpu.memref_slice %arg5[%dma_wait3A_477, %dma_wait3A_478] : memref<100000x128xbf16, #tpu.memory_space<hbm>> -> memref<128x128xbf16, #tpu.memory_space<hbm>>
      tpu.wait_dma2 semaphore(%arg28 : memref<!tpu.dma_semaphore, #tpu.memory_space<semaphore_mem>>) src(%dma_wait3A_479 : memref<128x128xbf16, #tpu.memory_space<hbm>>) dst(%arg17 : memref<128x128xbf16, #tpu.memory_space<vmem>>)
      %gt3A_480 = arith.constant 0 : i32
      %gt3A_481 = arith.cmpi sgt, %scan3A_406, %gt3A_480 : i32
      %convert_element_type3A_482 = arith.extui %gt3A_481 : i1 to i32
      %cond3A_483 = arith.constant 0 : i32
      %cond3A_484 = arith.cmpi ne, %convert_element_type3A_482, %cond3A_483 : i32
      scf.if %cond3A_484 {
        %dma_wait3A_538 = arith.constant 0 : i32
        %dma_wait3A_539 = arith.constant 0 : i32
        %dma_wait3A_540 = tpu.memref_slice %arg7[%dma_wait3A_538, %dma_wait3A_539] : memref<17408x128xbf16, #tpu.memory_space<hbm>> -> memref<16x128xbf16, #tpu.memory_space<hbm>>
        %dma_wait3A_541 = arith.constant 0 : i32
        %dma_wait3A_542 = arith.constant 0 : i32
        %dma_wait3A_543 = tpu.memref_slice %arg7[%dma_wait3A_541, %dma_wait3A_542] : memref<17408x128xbf16, #tpu.memory_space<hbm>> -> memref<16x128xbf16, #tpu.memory_space<hbm>>
        tpu.wait_dma2 semaphore(%arg31 : memref<!tpu.dma_semaphore, #tpu.memory_space<semaphore_mem>>) src(%dma_wait3A_543 : memref<16x128xbf16, #tpu.memory_space<hbm>>) dst(%arg20 : memref<16x128xbf16, #tpu.memory_space<vmem>>)
      } else {
      }
      %scan3A_485 = arith.constant 0 : i32
      %scan3A_486 = arith.constant 0 : i32
      %scan3A_487 = arith.constant 8 : i32
      %scan3A_488 = arith.addi %scan3A_486, %scan3A_487 : i32
      %scan3A_489 = arith.constant 1 : i32
      scf.for %scan3A_538 = %scan3A_486 to %scan3A_488 step %scan3A_489  : i32 {
        %mul3A_539 = arith.constant 16 : i32
        %mul3A_540 = arith.muli %scan3A_538, %mul3A_539 : i32
        %get3A_541 = arith.index_cast %mul3A_540 : i32 to index
        %get3A_542 = arith.constant 0 : index
        %get3A_543 = tpu.vector_load %arg17[%get3A_541, %get3A_542] {strides = array<i32>} : memref<128x128xbf16, #tpu.memory_space<vmem>>, vector<1x32xbf16>,
        %get3A_544 = vector.shape_cast %get3A_543 : vector<1x32xbf16> to vector<32xbf16>
        %mul3A_545 = arith.constant 16 : i32
        %mul3A_546 = arith.muli %scan3A_538, %mul3A_545 : i32
        %get3A_547 = arith.index_cast %mul3A_546 : i32 to index
        %get3A_548 = arith.constant 32 : index
        %get3A_549 = tpu.vector_load %arg17[%get3A_547, %get3A_548] {strides = array<i32>} : memref<128x128xbf16, #tpu.memory_space<vmem>>, vector<1x32xbf16>,
        %get3A_550 = vector.shape_cast %get3A_549 : vector<1x32xbf16> to vector<32xbf16>
        %mul3A_551 = arith.constant 16 : i32
        %mul3A_552 = arith.muli %scan3A_538, %mul3A_551 : i32
        %get3A_553 = arith.index_cast %mul3A_552 : i32 to index
        %get3A_554 = arith.constant 64 : index
        %get3A_555 = tpu.vector_load %arg17[%get3A_553, %get3A_554] {strides = array<i32>} : memref<128x128xbf16, #tpu.memory_space<vmem>>, vector<1x32xbf16>,
        %get3A_556 = vector.shape_cast %get3A_555 : vector<1x32xbf16> to vector<32xbf16>
        %mul3A_557 = arith.constant 16 : i32
        %mul3A_558 = arith.muli %scan3A_538, %mul3A_557 : i32
        %get3A_559 = arith.index_cast %mul3A_558 : i32 to index
        %get3A_560 = arith.constant 96 : index
        %get3A_561 = tpu.vector_load %arg17[%get3A_559, %get3A_560] {strides = array<i32>} : memref<128x128xbf16, #tpu.memory_space<vmem>>, vector<1x32xbf16>,
        %get3A_562 = vector.shape_cast %get3A_561 : vector<1x32xbf16> to vector<32xbf16>
        %scan3A_563 = arith.constant 1 : i32
        %scan3A_564 = arith.constant 15 : i32
        %scan3A_565 = arith.addi %scan3A_563, %scan3A_564 : i32
        %scan3A_566 = arith.constant 1 : i32
        %scan3A_567:4 = scf.for %scan3A_597 = %scan3A_563 to %scan3A_565 step %scan3A_566 iter_args(%scan3A_598 = %get3A_544, %scan3A_599 = %get3A_550, %scan3A_600 = %get3A_556, %scan3A_601 = %get3A_562) -> (vector<32xbf16>, vector<32xbf16>, vector<32xbf16>, vector<32xbf16>)  : i32 {
          %mul3A_602 = arith.constant 16 : i32
          %mul3A_603 = arith.muli %scan3A_538, %mul3A_602 : i32
          %add3A_604 = arith.addi %mul3A_603, %scan3A_597 : i32
          %get3A_605 = arith.index_cast %add3A_604 : i32 to index
          %get3A_606 = arith.constant 0 : index
          %get3A_607 = tpu.vector_load %arg17[%get3A_605, %get3A_606] {strides = array<i32>} : memref<128x128xbf16, #tpu.memory_space<vmem>>, vector<1x32xbf16>,
          %get3A_608 = vector.shape_cast %get3A_607 : vector<1x32xbf16> to vector<32xbf16>
          %max3A = arith.maximumf %scan3A_598, %get3A_608 : vector<32xbf16>
          %mul3A_609 = arith.constant 16 : i32
          %mul3A_610 = arith.muli %scan3A_538, %mul3A_609 : i32
          %add3A_611 = arith.addi %mul3A_610, %scan3A_597 : i32
          %get3A_612 = arith.index_cast %add3A_611 : i32 to index
          %get3A_613 = arith.constant 32 : index
          %get3A_614 = tpu.vector_load %arg17[%get3A_612, %get3A_613] {strides = array<i32>} : memref<128x128xbf16, #tpu.memory_space<vmem>>, vector<1x32xbf16>,
          %get3A_615 = vector.shape_cast %get3A_614 : vector<1x32xbf16> to vector<32xbf16>
          %max3A_616 = arith.maximumf %scan3A_599, %get3A_615 : vector<32xbf16>
          %mul3A_617 = arith.constant 16 : i32
          %mul3A_618 = arith.muli %scan3A_538, %mul3A_617 : i32
          %add3A_619 = arith.addi %mul3A_618, %scan3A_597 : i32
          %get3A_620 = arith.index_cast %add3A_619 : i32 to index
          %get3A_621 = arith.constant 64 : index
          %get3A_622 = tpu.vector_load %arg17[%get3A_620, %get3A_621] {strides = array<i32>} : memref<128x128xbf16, #tpu.memory_space<vmem>>, vector<1x32xbf16>,
          %get3A_623 = vector.shape_cast %get3A_622 : vector<1x32xbf16> to vector<32xbf16>
          %max3A_624 = arith.maximumf %scan3A_600, %get3A_623 : vector<32xbf16>
          %mul3A_625 = arith.constant 16 : i32
          %mul3A_626 = arith.muli %scan3A_538, %mul3A_625 : i32
          %add3A_627 = arith.addi %mul3A_626, %scan3A_597 : i32
          %get3A_628 = arith.index_cast %add3A_627 : i32 to index
          %get3A_629 = arith.constant 96 : index
          %get3A_630 = tpu.vector_load %arg17[%get3A_628, %get3A_629] {strides = array<i32>} : memref<128x128xbf16, #tpu.memory_space<vmem>>, vector<1x32xbf16>,
          %get3A_631 = vector.shape_cast %get3A_630 : vector<1x32xbf16> to vector<32xbf16>
          %max3A_632 = arith.maximumf %scan3A_601, %get3A_631 : vector<32xbf16>
          scf.yield %max3A, %max3A_616, %max3A_624, %max3A_632 : vector<32xbf16>, vector<32xbf16>, vector<32xbf16>, vector<32xbf16>
        }
        %scan3A_568 = arith.constant 15 : i32
        %add3A_569 = arith.constant 0 : i32
        %add3A_570 = arith.addi %add3A_569, %scan3A_538 : i32
        %swap3A_571 = arith.index_cast %add3A_570 : i32 to index
        %swap3A_572 = arith.constant 0 : index
        %swap3A_573 = tpu.vector_load %arg20[%swap3A_571, %swap3A_572] {strides = array<i32>} : memref<16x128xbf16, #tpu.memory_space<vmem>>, vector<1x32xbf16>,
        %swap3A_574 = vector.shape_cast %swap3A_573 : vector<1x32xbf16> to vector<32xbf16>
        %swap3A_575 = vector.shape_cast %scan3A_567#0 : vector<32xbf16> to vector<1x32xbf16>
        tpu.vector_store %arg20[%swap3A_571, %swap3A_572], %swap3A_575 {strides = array<i32>} : memref<16x128xbf16, #tpu.memory_space<vmem>>, vector<1x32xbf16>,
        %add3A_576 = arith.constant 0 : i32
        %add3A_577 = arith.addi %add3A_576, %scan3A_538 : i32
        %swap3A_578 = arith.index_cast %add3A_577 : i32 to index
        %swap3A_579 = arith.constant 32 : index
        %swap3A_580 = tpu.vector_load %arg20[%swap3A_578, %swap3A_579] {strides = array<i32>} : memref<16x128xbf16, #tpu.memory_space<vmem>>, vector<1x32xbf16>,
        %swap3A_581 = vector.shape_cast %swap3A_580 : vector<1x32xbf16> to vector<32xbf16>
        %swap3A_582 = vector.shape_cast %scan3A_567#1 : vector<32xbf16> to vector<1x32xbf16>
        tpu.vector_store %arg20[%swap3A_578, %swap3A_579], %swap3A_582 {strides = array<i32>} : memref<16x128xbf16, #tpu.memory_space<vmem>>, vector<1x32xbf16>,
        %add3A_583 = arith.constant 0 : i32
        %add3A_584 = arith.addi %add3A_583, %scan3A_538 : i32
        %swap3A_585 = arith.index_cast %add3A_584 : i32 to index
        %swap3A_586 = arith.constant 64 : index
        %swap3A_587 = tpu.vector_load %arg20[%swap3A_585, %swap3A_586] {strides = array<i32>} : memref<16x128xbf16, #tpu.memory_space<vmem>>, vector<1x32xbf16>,
        %swap3A_588 = vector.shape_cast %swap3A_587 : vector<1x32xbf16> to vector<32xbf16>
        %swap3A_589 = vector.shape_cast %scan3A_567#2 : vector<32xbf16> to vector<1x32xbf16>
        tpu.vector_store %arg20[%swap3A_585, %swap3A_586], %swap3A_589 {strides = array<i32>} : memref<16x128xbf16, #tpu.memory_space<vmem>>, vector<1x32xbf16>,
        %add3A_590 = arith.constant 0 : i32
        %add3A_591 = arith.addi %add3A_590, %scan3A_538 : i32
        %swap3A_592 = arith.index_cast %add3A_591 : i32 to index
        %swap3A_593 = arith.constant 96 : index
        %swap3A_594 = tpu.vector_load %arg20[%swap3A_592, %swap3A_593] {strides = array<i32>} : memref<16x128xbf16, #tpu.memory_space<vmem>>, vector<1x32xbf16>,
        %swap3A_595 = vector.shape_cast %swap3A_594 : vector<1x32xbf16> to vector<32xbf16>
        %swap3A_596 = vector.shape_cast %scan3A_567#3 : vector<32xbf16> to vector<1x32xbf16>
        tpu.vector_store %arg20[%swap3A_592, %swap3A_593], %swap3A_596 {strides = array<i32>} : memref<16x128xbf16, #tpu.memory_space<vmem>>, vector<1x32xbf16>,
      }
      %scan3A_490 = arith.constant 8 : i32
      %lt3A_491 = arith.constant 16 : i32
      %lt3A_492 = arith.cmpi slt, %scan3A_406, %lt3A_491 : i32
      %convert_element_type3A_493 = arith.extui %lt3A_492 : i1 to i32
      %cond3A_494 = arith.constant 0 : i32
      %cond3A_495 = arith.cmpi ne, %convert_element_type3A_493, %cond3A_494 : i32
      scf.if %cond3A_495 {
        %add3A_538 = arith.constant 4 : i32
        %add3A_539 = arith.addi %add3A_473, %add3A_538 : i32
        %dma_start3A_540 = arith.constant 0 : i32
        %dma_start3A_541 = tpu.memref_slice %arg12[%add3A_539, %dma_start3A_540] : memref<68x128xi32, #tpu.memory_space<vmem>> -> memref<1x128xi32, #tpu.memory_space<vmem>>
        %dma_start3A_542 = tpu.memref_squeeze %dma_start3A_541 : memref<1x128xi32, #tpu.memory_space<vmem>> -> memref<128xi32, #tpu.memory_space<vmem>>
        %dma_start3A_543 = arith.constant 0 : i32
        %dma_start3A_544 = arith.constant 0 : i32
        %dma_start3A_545 = tpu.memref_slice %arg5[%dma_start3A_543, %dma_start3A_544] : memref<100000x128xbf16, #tpu.memory_space<hbm>> -> memref<100000x128xbf16, #tpu.memory_space<hbm>>
        tpu.enqueue_indirect_dma source(%dma_start3A_545 : memref<100000x128xbf16, #tpu.memory_space<hbm>>) target(%arg17 : memref<128x128xbf16, #tpu.memory_space<vmem>>) offsets(%dma_start3A_542 : memref<128xi32, #tpu.memory_space<vmem>>) semaphore(%arg28 : memref<!tpu.dma_semaphore, #tpu.memory_space<semaphore_mem>>)
      } else {
      }
      %mul3A_496 = arith.constant 4 : i32
      %mul3A_497 = arith.muli %mul3A_496, %scan3A_406 : i32
      %add3A_498 = arith.constant 3 : i32
      %add3A_499 = arith.addi %mul3A_497, %add3A_498 : i32
      %dma_wait3A_500 = arith.constant 0 : i32
      %dma_wait3A_501 = arith.constant 0 : i32
      %dma_wait3A_502 = tpu.memref_slice %arg5[%dma_wait3A_500, %dma_wait3A_501] : memref<100000x128xbf16, #tpu.memory_space<hbm>> -> memref<128x128xbf16, #tpu.memory_space<hbm>>
      %dma_wait3A_503 = arith.constant 0 : i32
      %dma_wait3A_504 = arith.constant 0 : i32
      %dma_wait3A_505 = tpu.memref_slice %arg5[%dma_wait3A_503, %dma_wait3A_504] : memref<100000x128xbf16, #tpu.memory_space<hbm>> -> memref<128x128xbf16, #tpu.memory_space<hbm>>
      tpu.wait_dma2 semaphore(%arg29 : memref<!tpu.dma_semaphore, #tpu.memory_space<semaphore_mem>>) src(%dma_wait3A_505 : memref<128x128xbf16, #tpu.memory_space<hbm>>) dst(%arg18 : memref<128x128xbf16, #tpu.memory_space<vmem>>)
      %scan3A_506 = arith.constant 0 : i32
      %scan3A_507 = arith.constant 0 : i32
      %scan3A_508 = arith.constant 8 : i32
      %scan3A_509 = arith.addi %scan3A_507, %scan3A_508 : i32
      %scan3A_510 = arith.constant 1 : i32
      scf.for %scan3A_538 = %scan3A_507 to %scan3A_509 step %scan3A_510  : i32 {
        %mul3A_539 = arith.constant 16 : i32
        %mul3A_540 = arith.muli %scan3A_538, %mul3A_539 : i32
        %get3A_541 = arith.index_cast %mul3A_540 : i32 to index
        %get3A_542 = arith.constant 0 : index
        %get3A_543 = tpu.vector_load %arg18[%get3A_541, %get3A_542] {strides = array<i32>} : memref<128x128xbf16, #tpu.memory_space<vmem>>, vector<1x32xbf16>,
        %get3A_544 = vector.shape_cast %get3A_543 : vector<1x32xbf16> to vector<32xbf16>
        %mul3A_545 = arith.constant 16 : i32
        %mul3A_546 = arith.muli %scan3A_538, %mul3A_545 : i32
        %get3A_547 = arith.index_cast %mul3A_546 : i32 to index
        %get3A_548 = arith.constant 32 : index
        %get3A_549 = tpu.vector_load %arg18[%get3A_547, %get3A_548] {strides = array<i32>} : memref<128x128xbf16, #tpu.memory_space<vmem>>, vector<1x32xbf16>,
        %get3A_550 = vector.shape_cast %get3A_549 : vector<1x32xbf16> to vector<32xbf16>
        %mul3A_551 = arith.constant 16 : i32
        %mul3A_552 = arith.muli %scan3A_538, %mul3A_551 : i32
        %get3A_553 = arith.index_cast %mul3A_552 : i32 to index
        %get3A_554 = arith.constant 64 : index
        %get3A_555 = tpu.vector_load %arg18[%get3A_553, %get3A_554] {strides = array<i32>} : memref<128x128xbf16, #tpu.memory_space<vmem>>, vector<1x32xbf16>,
        %get3A_556 = vector.shape_cast %get3A_555 : vector<1x32xbf16> to vector<32xbf16>
        %mul3A_557 = arith.constant 16 : i32
        %mul3A_558 = arith.muli %scan3A_538, %mul3A_557 : i32
        %get3A_559 = arith.index_cast %mul3A_558 : i32 to index
        %get3A_560 = arith.constant 96 : index
        %get3A_561 = tpu.vector_load %arg18[%get3A_559, %get3A_560] {strides = array<i32>} : memref<128x128xbf16, #tpu.memory_space<vmem>>, vector<1x32xbf16>,
        %get3A_562 = vector.shape_cast %get3A_561 : vector<1x32xbf16> to vector<32xbf16>
        %scan3A_563 = arith.constant 1 : i32
        %scan3A_564 = arith.constant 15 : i32
        %scan3A_565 = arith.addi %scan3A_563, %scan3A_564 : i32
        %scan3A_566 = arith.constant 1 : i32
        %scan3A_567:4 = scf.for %scan3A_597 = %scan3A_563 to %scan3A_565 step %scan3A_566 iter_args(%scan3A_598 = %get3A_544, %scan3A_599 = %get3A_550, %scan3A_600 = %get3A_556, %scan3A_601 = %get3A_562) -> (vector<32xbf16>, vector<32xbf16>, vector<32xbf16>, vector<32xbf16>)  : i32 {
          %mul3A_602 = arith.constant 16 : i32
          %mul3A_603 = arith.muli %scan3A_538, %mul3A_602 : i32
          %add3A_604 = arith.addi %mul3A_603, %scan3A_597 : i32
          %get3A_605 = arith.index_cast %add3A_604 : i32 to index
          %get3A_606 = arith.constant 0 : index
          %get3A_607 = tpu.vector_load %arg18[%get3A_605, %get3A_606] {strides = array<i32>} : memref<128x128xbf16, #tpu.memory_space<vmem>>, vector<1x32xbf16>,
          %get3A_608 = vector.shape_cast %get3A_607 : vector<1x32xbf16> to vector<32xbf16>
          %max3A = arith.maximumf %scan3A_598, %get3A_608 : vector<32xbf16>
          %mul3A_609 = arith.constant 16 : i32
          %mul3A_610 = arith.muli %scan3A_538, %mul3A_609 : i32
          %add3A_611 = arith.addi %mul3A_610, %scan3A_597 : i32
          %get3A_612 = arith.index_cast %add3A_611 : i32 to index
          %get3A_613 = arith.constant 32 : index
          %get3A_614 = tpu.vector_load %arg18[%get3A_612, %get3A_613] {strides = array<i32>} : memref<128x128xbf16, #tpu.memory_space<vmem>>, vector<1x32xbf16>,
          %get3A_615 = vector.shape_cast %get3A_614 : vector<1x32xbf16> to vector<32xbf16>
          %max3A_616 = arith.maximumf %scan3A_599, %get3A_615 : vector<32xbf16>
          %mul3A_617 = arith.constant 16 : i32
          %mul3A_618 = arith.muli %scan3A_538, %mul3A_617 : i32
          %add3A_619 = arith.addi %mul3A_618, %scan3A_597 : i32
          %get3A_620 = arith.index_cast %add3A_619 : i32 to index
          %get3A_621 = arith.constant 64 : index
          %get3A_622 = tpu.vector_load %arg18[%get3A_620, %get3A_621] {strides = array<i32>} : memref<128x128xbf16, #tpu.memory_space<vmem>>, vector<1x32xbf16>,
          %get3A_623 = vector.shape_cast %get3A_622 : vector<1x32xbf16> to vector<32xbf16>
          %max3A_624 = arith.maximumf %scan3A_600, %get3A_623 : vector<32xbf16>
          %mul3A_625 = arith.constant 16 : i32
          %mul3A_626 = arith.muli %scan3A_538, %mul3A_625 : i32
          %add3A_627 = arith.addi %mul3A_626, %scan3A_597 : i32
          %get3A_628 = arith.index_cast %add3A_627 : i32 to index
          %get3A_629 = arith.constant 96 : index
          %get3A_630 = tpu.vector_load %arg18[%get3A_628, %get3A_629] {strides = array<i32>} : memref<128x128xbf16, #tpu.memory_space<vmem>>, vector<1x32xbf16>,
          %get3A_631 = vector.shape_cast %get3A_630 : vector<1x32xbf16> to vector<32xbf16>
          %max3A_632 = arith.maximumf %scan3A_601, %get3A_631 : vector<32xbf16>
          scf.yield %max3A, %max3A_616, %max3A_624, %max3A_632 : vector<32xbf16>, vector<32xbf16>, vector<32xbf16>, vector<32xbf16>
        }
        %scan3A_568 = arith.constant 15 : i32
        %add3A_569 = arith.constant 8 : i32
        %add3A_570 = arith.addi %add3A_569, %scan3A_538 : i32
        %swap3A_571 = arith.index_cast %add3A_570 : i32 to index
        %swap3A_572 = arith.constant 0 : index
        %swap3A_573 = tpu.vector_load %arg20[%swap3A_571, %swap3A_572] {strides = array<i32>} : memref<16x128xbf16, #tpu.memory_space<vmem>>, vector<1x32xbf16>,
        %swap3A_574 = vector.shape_cast %swap3A_573 : vector<1x32xbf16> to vector<32xbf16>
        %swap3A_575 = vector.shape_cast %scan3A_567#0 : vector<32xbf16> to vector<1x32xbf16>
        tpu.vector_store %arg20[%swap3A_571, %swap3A_572], %swap3A_575 {strides = array<i32>} : memref<16x128xbf16, #tpu.memory_space<vmem>>, vector<1x32xbf16>,
        %add3A_576 = arith.constant 8 : i32
        %add3A_577 = arith.addi %add3A_576, %scan3A_538 : i32
        %swap3A_578 = arith.index_cast %add3A_577 : i32 to index
        %swap3A_579 = arith.constant 32 : index
        %swap3A_580 = tpu.vector_load %arg20[%swap3A_578, %swap3A_579] {strides = array<i32>} : memref<16x128xbf16, #tpu.memory_space<vmem>>, vector<1x32xbf16>,
        %swap3A_581 = vector.shape_cast %swap3A_580 : vector<1x32xbf16> to vector<32xbf16>
        %swap3A_582 = vector.shape_cast %scan3A_567#1 : vector<32xbf16> to vector<1x32xbf16>
        tpu.vector_store %arg20[%swap3A_578, %swap3A_579], %swap3A_582 {strides = array<i32>} : memref<16x128xbf16, #tpu.memory_space<vmem>>, vector<1x32xbf16>,
        %add3A_583 = arith.constant 8 : i32
        %add3A_584 = arith.addi %add3A_583, %scan3A_538 : i32
        %swap3A_585 = arith.index_cast %add3A_584 : i32 to index
        %swap3A_586 = arith.constant 64 : index
        %swap3A_587 = tpu.vector_load %arg20[%swap3A_585, %swap3A_586] {strides = array<i32>} : memref<16x128xbf16, #tpu.memory_space<vmem>>, vector<1x32xbf16>,
        %swap3A_588 = vector.shape_cast %swap3A_587 : vector<1x32xbf16> to vector<32xbf16>
        %swap3A_589 = vector.shape_cast %scan3A_567#2 : vector<32xbf16> to vector<1x32xbf16>
        tpu.vector_store %arg20[%swap3A_585, %swap3A_586], %swap3A_589 {strides = array<i32>} : memref<16x128xbf16, #tpu.memory_space<vmem>>, vector<1x32xbf16>,
        %add3A_590 = arith.constant 8 : i32
        %add3A_591 = arith.addi %add3A_590, %scan3A_538 : i32
        %swap3A_592 = arith.index_cast %add3A_591 : i32 to index
        %swap3A_593 = arith.constant 96 : index
        %swap3A_594 = tpu.vector_load %arg20[%swap3A_592, %swap3A_593] {strides = array<i32>} : memref<16x128xbf16, #tpu.memory_space<vmem>>, vector<1x32xbf16>,
        %swap3A_595 = vector.shape_cast %swap3A_594 : vector<1x32xbf16> to vector<32xbf16>
        %swap3A_596 = vector.shape_cast %scan3A_567#3 : vector<32xbf16> to vector<1x32xbf16>
        tpu.vector_store %arg20[%swap3A_592, %swap3A_593], %swap3A_596 {strides = array<i32>} : memref<16x128xbf16, #tpu.memory_space<vmem>>, vector<1x32xbf16>,
      }
      %scan3A_511 = arith.constant 8 : i32
      %mul3A_512 = arith.constant 2 : i32
      %mul3A_513 = arith.muli %mul3A_512, %scan3A_406 : i32
      %add3A_514 = arith.constant 1 : i32
      %add3A_515 = arith.addi %mul3A_513, %add3A_514 : i32
      %lt3A_516 = arith.constant 2 : i32
      %lt3A_517 = arith.cmpi slt, %add3A_515, %lt3A_516 : i32
      %mul3A_518 = arith.constant 32 : i32
      %mul3A_519 = arith.muli %add3A, %mul3A_518 : i32
      %mul3A_520 = arith.constant 16 : i32
      %mul3A_521 = arith.muli %add3A_515, %mul3A_520 : i32
      %add3A_522 = arith.addi %mul3A_519, %mul3A_521 : i32
      %sub3A_523 = arith.constant 2 : i32
      %sub3A_524 = arith.subi %add3A_515, %sub3A_523 : i32
      %mul3A_525 = arith.constant 16 : i32
      %mul3A_526 = arith.muli %sub3A_524, %mul3A_525 : i32
      %add3A_527 = arith.addi %add3A_4, %mul3A_526 : i32
      %select_n3A_528 = arith.select %lt3A_517, %add3A_522, %add3A_527 : i32
      %dma_start3A_529 = arith.constant 0 : i32
      %dma_start3A_530 = tpu.memref_slice %arg7[%select_n3A_528, %dma_start3A_529] : memref<17408x128xbf16, #tpu.memory_space<hbm>> -> memref<16x128xbf16, #tpu.memory_space<hbm>>
      %dma_start3A_531 = arith.constant 0 : i32
      %dma_start3A_532 = tpu.memref_slice %arg7[%select_n3A_528, %dma_start3A_531] : memref<17408x128xbf16, #tpu.memory_space<hbm>> -> memref<16x128xbf16, #tpu.memory_space<hbm>>
      tpu.enqueue_dma source(%arg20 : memref<16x128xbf16, #tpu.memory_space<vmem>>) target(%dma_start3A_532 : memref<16x128xbf16, #tpu.memory_space<hbm>>) target_semaphore(%arg31 : memref<!tpu.dma_semaphore, #tpu.memory_space<semaphore_mem>>)
      %lt3A_533 = arith.constant 16 : i32
      %lt3A_534 = arith.cmpi slt, %scan3A_406, %lt3A_533 : i32
      %convert_element_type3A_535 = arith.extui %lt3A_534 : i1 to i32
      %cond3A_536 = arith.constant 0 : i32
      %cond3A_537 = arith.cmpi ne, %convert_element_type3A_535, %cond3A_536 : i32
      scf.if %cond3A_537 {
        %add3A_538 = arith.constant 4 : i32
        %add3A_539 = arith.addi %add3A_499, %add3A_538 : i32
        %dma_start3A_540 = arith.constant 0 : i32
        %dma_start3A_541 = tpu.memref_slice %arg12[%add3A_539, %dma_start3A_540] : memref<68x128xi32, #tpu.memory_space<vmem>> -> memref<1x128xi32, #tpu.memory_space<vmem>>
        %dma_start3A_542 = tpu.memref_squeeze %dma_start3A_541 : memref<1x128xi32, #tpu.memory_space<vmem>> -> memref<128xi32, #tpu.memory_space<vmem>>
        %dma_start3A_543 = arith.constant 0 : i32
        %dma_start3A_544 = arith.constant 0 : i32
        %dma_start3A_545 = tpu.memref_slice %arg5[%dma_start3A_543, %dma_start3A_544] : memref<100000x128xbf16, #tpu.memory_space<hbm>> -> memref<100000x128xbf16, #tpu.memory_space<hbm>>
        tpu.enqueue_indirect_dma source(%dma_start3A_545 : memref<100000x128xbf16, #tpu.memory_space<hbm>>) target(%arg18 : memref<128x128xbf16, #tpu.memory_space<vmem>>) offsets(%dma_start3A_542 : memref<128xi32, #tpu.memory_space<vmem>>) semaphore(%arg29 : memref<!tpu.dma_semaphore, #tpu.memory_space<semaphore_mem>>)
      } else {
      }
    }
    %scan3A_375 = arith.constant 17 : i32
    %dma_wait3A_376 = arith.constant 0 : i32
    %dma_wait3A_377 = arith.constant 0 : i32
    %dma_wait3A_378 = tpu.memref_slice %arg7[%dma_wait3A_376, %dma_wait3A_377] : memref<17408x128xbf16, #tpu.memory_space<hbm>> -> memref<16x128xbf16, #tpu.memory_space<hbm>>
    %dma_wait3A_379 = arith.constant 0 : i32
    %dma_wait3A_380 = arith.constant 0 : i32
    %dma_wait3A_381 = tpu.memref_slice %arg7[%dma_wait3A_379, %dma_wait3A_380] : memref<17408x128xbf16, #tpu.memory_space<hbm>> -> memref<16x128xbf16, #tpu.memory_space<hbm>>
    tpu.wait_dma2 semaphore(%arg30 : memref<!tpu.dma_semaphore, #tpu.memory_space<semaphore_mem>>) src(%dma_wait3A_381 : memref<16x128xbf16, #tpu.memory_space<hbm>>) dst(%arg19 : memref<16x128xbf16, #tpu.memory_space<vmem>>)
    %dma_wait3A_382 = arith.constant 0 : i32
    %dma_wait3A_383 = arith.constant 0 : i32
    %dma_wait3A_384 = tpu.memref_slice %arg7[%dma_wait3A_382, %dma_wait3A_383] : memref<17408x128xbf16, #tpu.memory_space<hbm>> -> memref<16x128xbf16, #tpu.memory_space<hbm>>
    %dma_wait3A_385 = arith.constant 0 : i32
    %dma_wait3A_386 = arith.constant 0 : i32
    %dma_wait3A_387 = tpu.memref_slice %arg7[%dma_wait3A_385, %dma_wait3A_386] : memref<17408x128xbf16, #tpu.memory_space<hbm>> -> memref<16x128xbf16, #tpu.memory_space<hbm>>
    tpu.wait_dma2 semaphore(%arg31 : memref<!tpu.dma_semaphore, #tpu.memory_space<semaphore_mem>>) src(%dma_wait3A_387 : memref<16x128xbf16, #tpu.memory_space<hbm>>) dst(%arg20 : memref<16x128xbf16, #tpu.memory_space<vmem>>)
    %dma_wait3A_388 = arith.constant 0 : i32
    %dma_wait3A_389 = arith.constant 0 : i32
    %dma_wait3A_390 = tpu.memref_slice %arg13[%dma_wait3A_388, %dma_wait3A_389] : memref<128x128xf32, #tpu.memory_space<vmem>> -> memref<32x128xf32, #tpu.memory_space<vmem>>
    %dma_wait3A_391 = arith.constant 0 : i32
    %dma_wait3A_392 = arith.constant 0 : i32
    %dma_wait3A_393 = tpu.memref_slice %arg4[%dma_wait3A_391, %dma_wait3A_392] : memref<100000x128xf32, #tpu.memory_space<hbm>> -> memref<32x128xf32, #tpu.memory_space<hbm>>
    %dma_wait3A_394 = arith.constant 0 : i32
    %dma_wait3A_395 = arith.constant 0 : i32
    %dma_wait3A_396 = tpu.memref_slice %arg13[%dma_wait3A_394, %dma_wait3A_395] : memref<128x128xf32, #tpu.memory_space<vmem>> -> memref<32x128xf32, #tpu.memory_space<vmem>>
    %dma_wait3A_397 = arith.constant 0 : i32
    %dma_wait3A_398 = arith.constant 0 : i32
    %dma_wait3A_399 = tpu.memref_slice %arg4[%dma_wait3A_397, %dma_wait3A_398] : memref<100000x128xf32, #tpu.memory_space<hbm>> -> memref<32x128xf32, #tpu.memory_space<hbm>>
    tpu.wait_dma2 semaphore(%arg24 : memref<!tpu.dma_semaphore, #tpu.memory_space<semaphore_mem>>) src(%dma_wait3A_399 : memref<32x128xf32, #tpu.memory_space<hbm>>) dst(%dma_wait3A_396 : memref<32x128xf32, #tpu.memory_space<vmem>>)
    %dma_wait3A_400 = arith.constant 0 : i32
    %dma_wait3A_401 = arith.constant 0 : i32
    %dma_wait3A_402 = tpu.memref_slice %arg4[%dma_wait3A_400, %dma_wait3A_401] : memref<100000x128xf32, #tpu.memory_space<hbm>> -> memref<128x128xf32, #tpu.memory_space<hbm>>
    %dma_wait3A_403 = arith.constant 0 : i32
    %dma_wait3A_404 = arith.constant 0 : i32
    %dma_wait3A_405 = tpu.memref_slice %arg4[%dma_wait3A_403, %dma_wait3A_404] : memref<100000x128xf32, #tpu.memory_space<hbm>> -> memref<128x128xf32, #tpu.memory_space<hbm>>
    tpu.wait_dma2 semaphore(%arg25 : memref<!tpu.dma_semaphore, #tpu.memory_space<semaphore_mem>>) src(%dma_wait3A_405 : memref<128x128xf32, #tpu.memory_space<hbm>>) dst(%arg14 : memref<128x128xf32, #tpu.memory_space<vmem>>)
    return
  }
}

module attributes {stable_mosaic.version = 14 : i64} {
  func.func @_mm_body(%arg0: i32, %arg1: memref<2000x128xf32, #tpu.memory_space<vmem>>, %arg2: memref<128x128xf32, #tpu.memory_space<vmem>>, %arg3: memref<2000x128xbf16, #tpu.memory_space<vmem>>) attributes {dimension_semantics = [#tpu.dimension_semantics<arbitrary>], iteration_bounds = array<i64: 50>, scalar_prefetch = 0 : i64, scratch_operands = 0 : i64, tpu.core_type = #tpu.core_type<tc>, window_params = [{transform_indices = @transform_0, window_bounds = array<i64: 2000, 128>}, {pipeline_mode = #tpu.pipeline_mode<synchronous>, transform_indices = @transform_1, window_bounds = array<i64: 128, 128>}, {transform_indices = @transform_2, window_bounds = array<i64: 2000, 128>}]} {
    %get3A = arith.constant 0 : index
    %get3A_0 = arith.constant 0 : index
    %get3A_1 = vector.load %arg1[%get3A, %get3A_0] : memref<2000x128xf32, #tpu.memory_space<vmem>>, vector<2000x128xf32>
    %get3A_2 = arith.constant 0 : index
    %get3A_3 = arith.constant 0 : index
    %get3A_4 = vector.load %arg2[%get3A_2, %get3A_3] : memref<128x128xf32, #tpu.memory_space<vmem>>, vector<128x128xf32>
    %dot_general3A = arith.constant dense<0.000000e+00> : vector<2000x128xf32>
    %dot_general3A_5 = tpu.matmul %get3A_1, %get3A_4, %dot_general3A {dimension_numbers = #tpu.dot_dimension_numbers<[1], [0], [0], [1], [0, 0, 1, 1], [], []>, transpose_lhs_hint = false} : vector<2000x128xf32>, vector<128x128xf32>, vector<2000x128xf32> -> vector<2000x128xf32>
    %convert_element_type3A = arith.truncf %dot_general3A_5 : vector<2000x128xf32> to vector<2000x128xbf16>
    %swap3A = arith.constant 0 : index
    %swap3A_6 = arith.constant 0 : index
    %swap3A_7 = vector.load %arg3[%swap3A, %swap3A_6] : memref<2000x128xbf16, #tpu.memory_space<vmem>>, vector<2000x128xbf16>
    tpu.vector_store %arg3[%swap3A, %swap3A_6], %convert_element_type3A {strides = array<i32>} : memref<2000x128xbf16, #tpu.memory_space<vmem>>, vector<2000x128xbf16>,
    return
  }
  func.func @transform_0(%arg0: i32) -> (i32, i32) {
    %c0_i32 = arith.constant 0 : i32
    %c0_i32_0 = arith.constant 0 : i32
    return %arg0, %c0_i32 : i32, i32
  }
  func.func @transform_1(%arg0: i32) -> (i32, i32) {
    %c0_i32 = arith.constant 0 : i32
    %c0_i32_0 = arith.constant 0 : i32
    %c0_i32_1 = arith.constant 0 : i32
    return %c0_i32, %c0_i32_0 : i32, i32
  }
  func.func @transform_2(%arg0: i32) -> (i32, i32) {
    %c0_i32 = arith.constant 0 : i32
    %c0_i32_0 = arith.constant 0 : i32
    return %arg0, %c0_i32 : i32, i32
  }
}

module attributes {stable_mosaic.version = 14 : i64} {
  func.func @_tail_body(%arg0: i32, %arg1: memref<64x128xf32, #tpu.memory_space<vmem>>, %arg2: memref<1024x128xf32, #tpu.memory_space<vmem>>, %arg3: memref<64x128xbf16, #tpu.memory_space<vmem>>, %arg4: memref<1024x128xbf16, #tpu.memory_space<vmem>>, %arg5: memref<128x128xf32, #tpu.memory_space<vmem>>, %arg6: memref<1x128xf32, #tpu.memory_space<vmem>>, %arg7: memref<128x128xf32, #tpu.memory_space<vmem>>, %arg8: memref<128x128xf32, #tpu.memory_space<vmem>>, %arg9: memref<1x128xf32, #tpu.memory_space<vmem>>, %arg10: memref<128x128xf32, #tpu.memory_space<vmem>>, %arg11: memref<1x128xf32, #tpu.memory_space<vmem>>, %arg12: memref<64x128xf32, #tpu.memory_space<vmem>>) attributes {dimension_semantics = [#tpu.dimension_semantics<arbitrary>], iteration_bounds = array<i64: 16>, scalar_prefetch = 0 : i64, scratch_operands = 0 : i64, tpu.core_type = #tpu.core_type<tc>, window_params = [{transform_indices = @transform_0, window_bounds = array<i64: 64, 128>}, {transform_indices = @transform_1, window_bounds = array<i64: 1024, 128>}, {transform_indices = @transform_2, window_bounds = array<i64: 64, 128>}, {transform_indices = @transform_3, window_bounds = array<i64: 1024, 128>}, {pipeline_mode = #tpu.pipeline_mode<synchronous>, transform_indices = @transform_4, window_bounds = array<i64: 128, 128>}, {pipeline_mode = #tpu.pipeline_mode<synchronous>, transform_indices = @transform_5, window_bounds = array<i64: 1, 128>}, {pipeline_mode = #tpu.pipeline_mode<synchronous>, transform_indices = @transform_6, window_bounds = array<i64: 128, 128>}, {pipeline_mode = #tpu.pipeline_mode<synchronous>, transform_indices = @transform_7, window_bounds = array<i64: 128, 128>}, {pipeline_mode = #tpu.pipeline_mode<synchronous>, transform_indices = @transform_8, window_bounds = array<i64: 1, 128>}, {pipeline_mode = #tpu.pipeline_mode<synchronous>, transform_indices = @transform_9, window_bounds = array<i64: 128, 128>}, {pipeline_mode = #tpu.pipeline_mode<synchronous>, transform_indices = @transform_10, window_bounds = array<i64: 1, 128>}, {transform_indices = @transform_11, window_bounds = array<i64: 64, 128>}]} {
    %get3A = arith.constant 0 : index
    %get3A_0 = arith.constant 0 : index
    %get3A_1 = vector.load %arg1[%get3A, %get3A_0] : memref<64x128xf32, #tpu.memory_space<vmem>>, vector<64x128xf32>
    %get3A_2 = arith.constant 0 : index
    %get3A_3 = arith.constant 0 : index
    %get3A_4 = vector.load %arg5[%get3A_2, %get3A_3] : memref<128x128xf32, #tpu.memory_space<vmem>>, vector<128x128xf32>
    %dot_general3A = arith.constant dense<0.000000e+00> : vector<64x128xf32>
    %dot_general3A_5 = tpu.matmul %get3A_1, %get3A_4, %dot_general3A {dimension_numbers = #tpu.dot_dimension_numbers<[1], [0], [0], [1], [0, 0, 1, 1], [], []>, transpose_lhs_hint = false} : vector<64x128xf32>, vector<128x128xf32>, vector<64x128xf32> -> vector<64x128xf32>
    %get3A_6 = arith.constant 0 : index
    %get3A_7 = arith.constant 0 : index
    %get3A_8 = vector.load %arg6[%get3A_6, %get3A_7] : memref<1x128xf32, #tpu.memory_space<vmem>>, vector<1x128xf32>
    %add3A = vector.broadcast %get3A_8 : vector<1x128xf32> to vector<64x128xf32>
    %add3A_9 = arith.addf %dot_general3A_5, %add3A : vector<64x128xf32>
    %get3A_10 = arith.constant 0 : index
    %get3A_11 = arith.constant 0 : index
    %get3A_12 = vector.load %arg3[%get3A_10, %get3A_11] : memref<64x128xbf16, #tpu.memory_space<vmem>>, vector<64x128xbf16>
    %convert_element_type3A = arith.extf %get3A_12 : vector<64x128xbf16> to vector<64x128xf32>
    %add3A_13 = arith.addf %add3A_9, %convert_element_type3A : vector<64x128xf32>
    %max3A = arith.constant 0.000000e+00 : f32
    %max3A_14 = vector.broadcast %max3A : f32 to vector<64x128xf32>
    %max3A_15 = arith.maximumf %add3A_13, %max3A_14 : vector<64x128xf32>
    %get3A_16 = arith.constant 0 : index
    %get3A_17 = arith.constant 0 : index
    %get3A_18 = vector.load %arg2[%get3A_16, %get3A_17] : memref<1024x128xf32, #tpu.memory_space<vmem>>, vector<1024x128xf32>
    %get3A_19 = arith.constant 0 : index
    %get3A_20 = arith.constant 0 : index
    %get3A_21 = vector.load %arg5[%get3A_19, %get3A_20] : memref<128x128xf32, #tpu.memory_space<vmem>>, vector<128x128xf32>
    %dot_general3A_22 = arith.constant dense<0.000000e+00> : vector<1024x128xf32>
    %dot_general3A_23 = tpu.matmul %get3A_18, %get3A_21, %dot_general3A_22 {dimension_numbers = #tpu.dot_dimension_numbers<[1], [0], [0], [1], [0, 0, 1, 1], [], []>, transpose_lhs_hint = false} : vector<1024x128xf32>, vector<128x128xf32>, vector<1024x128xf32> -> vector<1024x128xf32>
    %get3A_24 = arith.constant 0 : index
    %get3A_25 = arith.constant 0 : index
    %get3A_26 = vector.load %arg6[%get3A_24, %get3A_25] : memref<1x128xf32, #tpu.memory_space<vmem>>, vector<1x128xf32>
    %add3A_27 = vector.broadcast %get3A_26 : vector<1x128xf32> to vector<1024x128xf32>
    %add3A_28 = arith.addf %dot_general3A_23, %add3A_27 : vector<1024x128xf32>
    %get3A_29 = arith.constant 0 : index
    %get3A_30 = arith.constant 0 : index
    %get3A_31 = vector.load %arg4[%get3A_29, %get3A_30] : memref<1024x128xbf16, #tpu.memory_space<vmem>>, vector<1024x128xbf16>
    %convert_element_type3A_32 = arith.extf %get3A_31 : vector<1024x128xbf16> to vector<1024x128xf32>
    %add3A_33 = arith.addf %add3A_28, %convert_element_type3A_32 : vector<1024x128xf32>
    %max3A_34 = arith.constant 0.000000e+00 : f32
    %max3A_35 = vector.broadcast %max3A_34 : f32 to vector<1024x128xf32>
    %max3A_36 = arith.maximumf %add3A_33, %max3A_35 : vector<1024x128xf32>
    %get3A_37 = arith.constant 0 : index
    %get3A_38 = arith.constant 0 : index
    %get3A_39 = vector.load %arg7[%get3A_37, %get3A_38] : memref<128x128xf32, #tpu.memory_space<vmem>>, vector<128x128xf32>
    %dot_general3A_40 = arith.constant dense<0.000000e+00> : vector<64x128xf32>
    %dot_general3A_41 = tpu.matmul %max3A_15, %get3A_39, %dot_general3A_40 {dimension_numbers = #tpu.dot_dimension_numbers<[1], [0], [0], [1], [0, 0, 1, 1], [], []>, transpose_lhs_hint = false} : vector<64x128xf32>, vector<128x128xf32>, vector<64x128xf32> -> vector<64x128xf32>
    %get3A_42 = arith.constant 0 : index
    %get3A_43 = arith.constant 0 : index
    %get3A_44 = vector.load %arg9[%get3A_42, %get3A_43] : memref<1x128xf32, #tpu.memory_space<vmem>>, vector<1x128xf32>
    %add3A_45 = vector.broadcast %get3A_44 : vector<1x128xf32> to vector<64x128xf32>
    %add3A_46 = arith.addf %dot_general3A_41, %add3A_45 : vector<64x128xf32>
    %get3A_47 = arith.constant 0 : index
    %get3A_48 = arith.constant 0 : index
    %get3A_49 = vector.load %arg8[%get3A_47, %get3A_48] : memref<128x128xf32, #tpu.memory_space<vmem>>, vector<128x128xf32>
    %dot_general3A_50 = arith.constant dense<0.000000e+00> : vector<1024x128xf32>
    %dot_general3A_51 = tpu.matmul %max3A_36, %get3A_49, %dot_general3A_50 {dimension_numbers = #tpu.dot_dimension_numbers<[1], [0], [0], [1], [0, 0, 1, 1], [], []>, transpose_lhs_hint = false} : vector<1024x128xf32>, vector<128x128xf32>, vector<1024x128xf32> -> vector<1024x128xf32>
    %reshape3A = vector.shape_cast %dot_general3A_51 : vector<1024x128xf32> to vector<64x16x128xf32>
    %reduce_max3A = arith.constant dense<0xFF800000> : vector<64x128xf32>
    %reduce_max3A_52 = vector.multi_reduction <maximumf>, %reshape3A, %reduce_max3A [1] : vector<64x16x128xf32> to vector<64x128xf32>
    %add3A_53 = arith.addf %add3A_46, %reduce_max3A_52 : vector<64x128xf32>
    %get3A_54 = arith.constant 0 : index
    %get3A_55 = arith.constant 0 : index
    %get3A_56 = vector.load %arg10[%get3A_54, %get3A_55] : memref<128x128xf32, #tpu.memory_space<vmem>>, vector<128x128xf32>
    %dot_general3A_57 = arith.constant dense<0.000000e+00> : vector<64x128xf32>
    %dot_general3A_58 = tpu.matmul %add3A_53, %get3A_56, %dot_general3A_57 {dimension_numbers = #tpu.dot_dimension_numbers<[1], [0], [0], [1], [0, 0, 1, 1], [], []>, transpose_lhs_hint = false} : vector<64x128xf32>, vector<128x128xf32>, vector<64x128xf32> -> vector<64x128xf32>
    %get3A_59 = arith.constant 0 : index
    %get3A_60 = arith.constant 0 : index
    %get3A_61 = vector.load %arg11[%get3A_59, %get3A_60] : memref<1x128xf32, #tpu.memory_space<vmem>>, vector<1x128xf32>
    %add3A_62 = vector.broadcast %get3A_61 : vector<1x128xf32> to vector<64x128xf32>
    %add3A_63 = arith.addf %dot_general3A_58, %add3A_62 : vector<64x128xf32>
    %swap3A = arith.constant 0 : index
    %swap3A_64 = arith.constant 0 : index
    %swap3A_65 = vector.load %arg12[%swap3A, %swap3A_64] : memref<64x128xf32, #tpu.memory_space<vmem>>, vector<64x128xf32>
    tpu.vector_store %arg12[%swap3A, %swap3A_64], %add3A_63 {strides = array<i32>} : memref<64x128xf32, #tpu.memory_space<vmem>>, vector<64x128xf32>,
    return
  }
  func.func @transform_0(%arg0: i32) -> (i32, i32) {
    %c0_i32 = arith.constant 0 : i32
    %c0_i32_0 = arith.constant 0 : i32
    return %arg0, %c0_i32 : i32, i32
  }
  func.func @transform_1(%arg0: i32) -> (i32, i32) {
    %add3A = arith.constant 1 : i32
    %add3A_0 = arith.addi %arg0, %add3A : i32
    %c0_i32 = arith.constant 0 : i32
    %c0_i32_1 = arith.constant 0 : i32
    return %add3A_0, %c0_i32 : i32, i32
  }
  func.func @transform_2(%arg0: i32) -> (i32, i32) {
    %c0_i32 = arith.constant 0 : i32
    %c0_i32_0 = arith.constant 0 : i32
    return %arg0, %c0_i32 : i32, i32
  }
  func.func @transform_3(%arg0: i32) -> (i32, i32) {
    %add3A = arith.constant 1 : i32
    %add3A_0 = arith.addi %arg0, %add3A : i32
    %c0_i32 = arith.constant 0 : i32
    %c0_i32_1 = arith.constant 0 : i32
    return %add3A_0, %c0_i32 : i32, i32
  }
  func.func @transform_4(%arg0: i32) -> (i32, i32) {
    %c0_i32 = arith.constant 0 : i32
    %c0_i32_0 = arith.constant 0 : i32
    %c0_i32_1 = arith.constant 0 : i32
    return %c0_i32, %c0_i32_0 : i32, i32
  }
  func.func @transform_5(%arg0: i32) -> (i32, i32) {
    %c0_i32 = arith.constant 0 : i32
    %c0_i32_0 = arith.constant 0 : i32
    %c0_i32_1 = arith.constant 0 : i32
    return %c0_i32, %c0_i32_0 : i32, i32
  }
  func.func @transform_6(%arg0: i32) -> (i32, i32) {
    %c0_i32 = arith.constant 0 : i32
    %c0_i32_0 = arith.constant 0 : i32
    %c0_i32_1 = arith.constant 0 : i32
    return %c0_i32, %c0_i32_0 : i32, i32
  }
  func.func @transform_7(%arg0: i32) -> (i32, i32) {
    %c0_i32 = arith.constant 0 : i32
    %c0_i32_0 = arith.constant 0 : i32
    %c0_i32_1 = arith.constant 0 : i32
    return %c0_i32, %c0_i32_0 : i32, i32
  }
  func.func @transform_8(%arg0: i32) -> (i32, i32) {
    %c0_i32 = arith.constant 0 : i32
    %c0_i32_0 = arith.constant 0 : i32
    %c0_i32_1 = arith.constant 0 : i32
    return %c0_i32, %c0_i32_0 : i32, i32
  }
  func.func @transform_9(%arg0: i32) -> (i32, i32) {
    %c0_i32 = arith.constant 0 : i32
    %c0_i32_0 = arith.constant 0 : i32
    %c0_i32_1 = arith.constant 0 : i32
    return %c0_i32, %c0_i32_0 : i32, i32
  }
  func.func @transform_10(%arg0: i32) -> (i32, i32) {
    %c0_i32 = arith.constant 0 : i32
    %c0_i32_0 = arith.constant 0 : i32
    %c0_i32_1 = arith.constant 0 : i32
    return %c0_i32, %c0_i32_0 : i32, i32
  }
  func.func @transform_11(%arg0: i32) -> (i32, i32) {
    %c0_i32 = arith.constant 0 : i32
    %c0_i32_0 = arith.constant 0 : i32
    return %arg0, %c0_i32 : i32, i32
  }
}

</mosaic_0001>

<sc_bundles>
// kernel: kernel.5.cloned.1.call-start
scs
__scs_entry_jumppad:
0x0: {  	(pc) =	sbr.rel $0x88, $3  }
0x1: {  	(tag) =	ssettag $0x0;
	lr =	simm.s32 $0x1  }
0x2: {  	[smem:$0x3F98] =	sst lr;
	_ =	strace $0xD0000000  }
0x3: {  	_ = 	snop  }
0x4: {  	_ = 	snop  }
0x5: {  	_ = 	snop  }
0x6: {  	_ = 	snop  }
0x7: {  	_ = 	snop  }
__scs_overlays_trampoline_lowered:
0x8: {  	[smem:$0x3FA7] =	sst s0  }
0x9: {  	[smem:$0x3FA8] =	sst s1  }
0xa: {  	[smem:$0x3FA9] =	sst s2  }
0xb: {  	[smem:$0x3FAA] =	sst s3  }
0xc: {  	[smem:$0x3FAB] =	sst s4  }
0xd: {  	[smem:$0x3FAC] =	sst s5  }
0xe: {  	[smem:$0x3FAD] =	sst s6  }
0xf: {  	[smem:$0x3FAE] =	sst s7  }
0x10: {  	[smem:$0x3FAF] =	sst s8  }
0x11: {  	[smem:$0x3FB0] =	sst s9;
	s0 =	simm.s32 @!p0 $0x0  }
0x12: {  	s1 =	sld [smem:$0x3F96];
	s0 =	simm.s32 @p0 $0x1  }
0x13: {  	[smem:$0x3FB1] =	sst s0;
	s0 =	simm.s32 @!p1 $0x0  }
0x14: {  	s2 =	sld [smem:$0x3F95];
	s0 =	simm.s32 @p1 $0x1  }
0x15: {  	[smem:$0x3FB2] =	sst s0;
	s0 =	simm.s32 @!p2 $0x0  }
0x16: {  	s3 =	sld [smem:$0x3FDB];
	s0 =	simm.s32 @p2 $0x1  }
0x17: {  	s4 =	simm.s32 $0x1BF5;
	[smem:$0x3FB4] =	sst s0  }
0x18: {  	s0 =	sld [smem:$0x3F97];
	_ =	swait.ge [sflag:s4], $0x0  }
0x19: {  	s7 =	sld [smem:$0x3F98]  }
0x1a: {  	s8 =	sadd.s32 $0xFFFFE003, lr  }
0x1b: {  	s9 =	sadd.s32 $0xFFFFFEF7, lr;
	s5 =	simm.s32 $0xFFFFFFFF;
	p2 =	slt.u32 s8, $0xFFFFF086  }
0x1c: {  	p1 =	slt.u32 s9, $0xF7A;
	s5 =	simm.s32 @!p2 $0x0  }
0x1d: {  	s5 =	simm.s32 @p1 $0x1;
	p0 =	seq.s32 s7, s2  }
0x1e: {  	s7 =	smul.u32 @!p0 $0xF7A, s2;
	p2 =	seq.s32 @!p0 s5, $0x0  }
0x1f: {  	s9 =	smul.u32 $0xF7A, s1;
	s8 =	simm.s32 @!p0 $0x1BF5;
	p2 =	por !p2, p0  }
0x20: {  	[sflag:s8] =	ssyncset.s32 @!p0 $0xFFFFF086;
	s6 =	sadd.s32 @!p0 s3, s7;
	s7 =	simm.s32 @!p0 $0x108  }
0x21: {  	s3 =	sadd.s32 s3, s9;
	s6 =	sadd.s32 @!p0 $0x88, s6;
	s7 =	simm.s32 @p2 $0x1082  }
0x22: {  	[simem:s7], [sflag:s8] =	dma.local @!p0 [hbm:s6], $0xF7A  }
0x23: {  	s9 =	sor.u32 $0xD0000000, s2;
	s6 =	simm.s32 $0x108;
	_ =	swait.ge @!p0 [sflag:s8], $0x0  }
0x24: {  	s3 =	sadd.s32 $0x88, s3;
	s6 =	simm.s32 @!p1 $0x1082;
	[sflag:s4] =	ssyncset.s32 $0xFFFFF086  }
0x25: {  	[simem:s6], [sflag:s4] =	dma.local [hbm:s3], $0xF7A  }
0x26: {  	[smem:$0x3F98] =	sst s1;
	(tag) =	ssettag s2;
	_ =	strace s9  }
0x27: {  	s1 =	sld [smem:$0x3FA8]  }
0x28: {  	s2 =	sld [smem:$0x3FA9]  }
0x29: {  	s4 =	sld [smem:$0x3FAB]  }
0x2a: {  	p0 =	seq.s32 s5, $0x0;
	s5 =	sld [smem:$0x3FAC]  }
0x2b: {  	s6 =	sld [smem:$0x3FAD]  }
0x2c: {  	s7 =	sld [smem:$0x3FAE]  }
0x2d: {  	s3 =	simm.s32 $0x108;
	s8 =	sld [smem:$0x3FAF]  }
0x2e: {  	s3 =	simm.s32 @!p0 $0x1082;
	s9 =	sld [smem:$0x3FB0]  }
0x2f: {  	lr =	sadd.s32 s0, s3;
	s0 =	sld [smem:$0x3FA7]  }
0x30: {  	s3 =	sld [smem:$0x3FAA]  }
0x31: {  	[smem:$0x3FB3] =	sst s10  }
0x32: {  	s10 =	sld [smem:$0x3FB1];
	_ =	sdelay $0x3  }
0x33: {  	p0 =	seq.s32 s10, $0x1;
	s10 =	sld [smem:$0x3FB3];
	_ =	sdelay $0x3  }
0x34: {  	[smem:$0x3FB3] =	sst s10  }
0x35: {  	s10 =	sld [smem:$0x3FB2];
	_ =	sdelay $0x3  }
0x36: {  	p1 =	seq.s32 s10, $0x1;
	s10 =	sld [smem:$0x3FB3];
	_ =	sdelay $0x3  }
0x37: {  	[smem:$0x3FB3] =	sst s10  }
0x38: {  	s10 =	sld [smem:$0x3FB4]  }
0x39: {  	_ = 	snop;
	(pc) =	sbr.ind lr, $3  }
0x3a: {  	_ = 	snop  }
0x3b: {  	_ = 	snop  }
0x3c: {  	p2 =	seq.s32 s10, $0x1;
	s10 =	sld [smem:$0x3FB3]  }
0x3d: {  	_ =	shalt  }
0x3e: {  	_ =	shalt  }
0x3f: {  	_ =	shalt  }
0x40: {  	_ =	shalt  }
0x41: {  	_ =	shalt  }
0x42: {  	_ =	shalt  }
0x43: {  	_ =	shalt  }
0x44: {  	_ =	shalt  }
0x45: {  	_ =	shalt  }
0x46: {  	_ =	shalt  }
0x47: {  	_ =	shalt  }
0x48: {  	_ =	shalt  }
0x49: {  	_ =	shalt  }
0x4a: {  	_ =	shalt  }
0x4b: {  	_ =	shalt  }
0x4c: {  	_ =	shalt  }
0x4d: {  	_ =	shalt  }
0x4e: {  	_ =	shalt  }
0x4f: {  	_ =	shalt  }
0x50: {  	_ =	shalt  }
0x51: {  	_ =	shalt  }
0x52: {  	_ =	shalt  }
0x53: {  	_ =	shalt  }
0x54: {  	_ =	shalt  }
0x55: {  	_ =	shalt  }
0x56: {  	_ =	shalt  }
0x57: {  	_ =	shalt  }
0x58: {  	_ =	shalt  }
0x59: {  	_ =	shalt  }
0x5a: {  	_ =	shalt  }
0x5b: {  	_ =	shalt  }
0x5c: {  	_ =	shalt  }
0x5d: {  	_ =	shalt  }
0x5e: {  	_ =	shalt  }
0x5f: {  	_ =	shalt  }
0x60: {  	_ =	shalt  }
0x61: {  	_ =	shalt  }
0x62: {  	_ =	shalt  }
0x63: {  	_ =	shalt  }
0x64: {  	_ =	shalt  }
0x65: {  	_ =	shalt  }
0x66: {  	_ =	shalt  }
0x67: {  	_ =	shalt  }
0x68: {  	_ =	shalt  }
0x69: {  	_ =	shalt  }
0x6a: {  	_ =	shalt  }
0x6b: {  	_ =	shalt  }
0x6c: {  	_ =	shalt  }
0x6d: {  	_ =	shalt  }
0x6e: {  	_ =	shalt  }
0x6f: {  	_ =	shalt  }
0x70: {  	_ =	shalt  }
0x71: {  	_ =	shalt  }
0x72: {  	_ =	shalt  }
0x73: {  	_ =	shalt  }
0x74: {  	_ =	shalt  }
0x75: {  	_ =	shalt  }
0x76: {  	_ =	shalt  }
0x77: {  	_ =	shalt  }
0x78: {  	_ =	shalt  }
0x79: {  	_ =	shalt  }
0x7a: {  	_ =	shalt  }
0x7b: {  	_ =	shalt  }
0x7c: {  	_ =	shalt  }
0x7d: {  	_ =	shalt  }
0x7e: {  	_ =	shalt  }
0x7f: {  	_ =	shalt  }
0x80: {  	_ =	shalt  }
0x81: {  	_ =	shalt  }
0x82: {  	_ =	shalt  }
0x83: {  	_ =	shalt  }
0x84: {  	_ =	shalt  }
0x85: {  	_ =	shalt  }
0x86: {  	_ =	shalt  }
0x87: {  	_ =	shalt  }
.Lfunc_end0:
.L_simem_size_0:
called_computation_lowered:
.L_overlay_start_0:
0x88: {  	s2 =	sld [smem:$0x3FD9]  }
0x89: {  	s3 =	sld [smem:$0x3FFE];
	_ =	sdelay $0x1  }
0x8a: {  	s1 =	srdreg.scid  }
0x8b: {  	s0 =	sand.u32 $0x1, s1  }
0x8c: {  	s17 =	sshll.u32 s0, $0xA;
	s2 =	sadd.s32 s3, s2  }
0x8d: {  	s2 =	sadd.s32 s2, s17  }
0x8e: {  	[smem:$0x3FBF] =	sst s2  }
0x8f: {  	_ = 	snop  }
0x90: {  	s2 =	sld [smem:$0x3FC9]  }
0x91: {  	s18 =	sld [smem:$0x3FC7];
	(tm) =	ssettm $0x1  }
0x92: {  	s4 =	sld [smem:$0x3FFB];
	_ =	sdelay $0x3  }
0x93: {  	_ =	strace s4  }
0x94: {  	s4 =	sld [smem:$0x3FFC];
	_ =	sdelay $0x3  }
0x95: {  	_ =	strace s4  }
0x96: {  	s4 =	sld [smem:$0x3FFD];
	_ =	sdelay $0x3  }
0x97: {  	_ =	strace s4  }
0x98: {  	_ =	strace $0x8FFFFFFF  }
0x99: {  	s19 =	sld [smem:$0x3FDB];
	_ =	sdelay $0x1  }
0x9a: {  	s5 =	simm.s32 $_scs_section_size  }
0x9b: {  	s6 =	simm.s32 $_size__tile_overlayer_lowered;
	s7 =	simm.s32 $_tile_overlayer_lowered  }
0x9c: {  	s22 =	simm.s32 $0x1BFF;
	s21 =	sshll.u32 s7, $0x1;
	s4 =	sadd.s32 s5, s19  }
0x9d: {  	s8 =	simm.s32 $0x0;
	s20 =	sshll.u32 s6, $0x1;
	s6 =	sadd.s32 s21, s4  }
0x9e: {  	[timem:s8], [sflag:s22] =	dma.local [hbm:s6], s20  }
0x9f: {  	_ =	swait.ge [sflag:s22], s20  }
0xa0: {  	s5 =	ssub.s32 $0x0, s20;
	[sflag:s22] =	ssyncset.done $0x0  }
0xa1: {  	[sflag:s22] =	ssyncadd.s32 s5;
	_ =	sdelay $0x1  }
0xa2: {  	s23 =	simm.s32 $0x1B8B  }
0xa3: {  	_ =	swait.ge [sflag:s23], $0x1  }
0xa4: {  	[sflag:s23] =	ssyncset.done $0x0  }
0xa5: {  	s25 =	simm.s32 $0x1B8E;
	s24 =	sld [smem:$0x3FFE];
	[sflag:s23] =	ssyncadd.s32 $0xFFFFFFFF  }
0xa6: {  	s26 =	simm.s32 $execute0_lowered;
	[smem:$0x3FD2] =	sst s25  }
0xa7: {  	s6 =	sshll.u32 s26, $0x1;
	_ =	strace $0x80000046;
	[dreg:$0x1] =	wrdreg $0xFFFFFFFF  }
0xa8: {  	s28 =	simm.s32 $_size_execute0_lowered;
	s4 =	sadd.s32 s4, s6;
	[dreg:$0x0] =	wrdreg $0x0  }
0xa9: {  	s6 =	sshll.u32 s28, $0x1;
	[dreg:$0x2] =	wrdreg s4  }
0xaa: {  	[dreg:$0x3] =	wrdreg s6  }
0xab: {  	[dreg:$0x4] =	wrdreg $0xC0  }
0xac: {  	_ =	task [dreg:s8], $0x5FFFF  }
0xad: {  	[dreg:$0x1] =	wrdreg $0xFFFFFFFF  }
0xae: {  	[dreg:$0x0] =	wrdreg $0x60  }
0xaf: {  	[dreg:$0x2] =	wrdreg s18  }
0xb0: {  	[dreg:$0x3] =	wrdreg s24  }
0xb1: {  	[dreg:$0x4] =	wrdreg s2  }
0xb2: {  	[dreg:$0x5] =	wrdreg $0x9  }
0xb3: {  	_ =	task.clear_ibuf [dreg:s8], $0x6FFFF;
	_ =	strace $0x90000046  }
0xb4: {  	s29 =	simm.s32 $0x9;
	_ =	strace $0x80000048  }
0xb5: {  	_ =	swait.ge [sflag:s29], $0x1  }
0xb6: {  	[sflag:s29] =	ssyncadd.s32 $0xFFFFFFFF  }
0xb7: {  	_ =	strace $0x90000048  }
0xb8: {  	_ =	sfence  }
0xb9: {  	s30 =	sld [smem:$0x0];
	_ =	sdelay $0x2  }
0xba: {  	s31 =	sshll.u32 s1, $0xD;
	s1 =	sshrl.u32 s1, $0x2  }
0xbb: {  	s3 =	sand.u32 $0x4000, s31;
	s1 =	sadd.s32 s1, s30  }
0xbc: {  	s0 =	sor.u32 s3, s0;
	s1 =	sshll.u32 s1, $0x11  }
0xbd: {  	s0 =	sor.u32 s1, s0  }
0xbe: {  	s0 =	sadd.s32 $0x8F2B, s0  }
0xbf: {  	[sflag:s0] =	ssyncadd.remote.s32 $0x1  }
0xc0: {  	_ =	sfence.sel $0xFFFF  }
0xc1: {  	[dreg:$0x0] =	wrdreg $0xFFFFFFFF;
	(pc) =	sbr.abs _section_cstart, $3  }
0xc2: {  	[dreg:$0x1] =	wrdreg $0xFFFFFFFF  }
0xc3: {  	_ =	task.clear_ibuf [dreg:s8], $0x2FFFF;
	_ =	strace $0x9FFFFFFF  }
0xc4: {  	(tm) =	ssettm $0x7FFFFFFF  }
0xc5: {  	_ =	shalt  }
tec
execute0_lowered:
.L_overlay_start_1:
0x0: {  	(tag) =	ssettag $0x1  }
0x1: {  	s0 =	rddreg [dreg:$0x0]  }
0x2: {  	s1 =	rddreg [dreg:$0x1];
	s2 =	simm.s32 $0x0;
	s4 =	srdreg.scid  }
0x3: {  	s9 =	stileid.u32;
	s20 =	simm.s32 $0x1;
	s28 =	simm.s32 $0x2  }
0x4: {  	s30 =	simm.s32 $0x3;
	s11 =	simm.s32 $0x7;
	s12 =	simm.s32 $0x14EA0  }
0x5: {  	s13 =	simm.s32 $0x8;
	s14 =	simm.s32 $0xB;
	[smem:$0x7FF] =	sst s2  }
0x6: {  	s3 =	sadd.s32 $0x188200, s1;
	s5 =	sadd.s32 $0x1B9000, s1;
	s4 =	sand.u32 $0x1, s4  }
0x7: {  	s8 =	sadd.s32 $0x23800, s1;
	s7 =	ssub.s32 $0x2, s4;
	s4 =	sshll.u32 s4, $0x4  }
0x8: {  	s6 =	sadd.s32 $0x1800, s1;
	s21 =	sshrl.u32 s7, $0x1;
	s4 =	sor.u32 s9, s4  }
0x9: {  	_ =	strace $0x80000047;
	s1 =	ssub.s32 s7, s21;
	s9 =	sshll.u32 s4, $0x9  }
0xa: {  	s10 =	sshll.u32 s4, $0xD;
	s7 =	sshll.u32 s4, $0x5;
	s4 =	sshll.u32 s4, $0x2  }
0xb: {  	s21 =	simm.s32 $0x80;
	s10 =	sadd.s32 s8, s10;
	s0 =	sadd.s32 s0, s4  }
0xc: {  	s22 =	sadd.s32 s8, s9;
	s15 =	sadd.s32 $0x3E0, s9;
	[dreg:$0x4] =	wrdreg s0  }
0xd: {  	s16 =	sor.u32 $0x10, s7;
	s31 =	smax.u32 s1, $0x1;
	[dreg:$0x5] =	wrdreg s22  }
0xe: {  	s17 =	sadd.s32 $0x3F0, s9;
	s23 =	sadd.s32 $0x4000, s10;
	[dreg:$0xb] =	wrdreg s31  }
0xf: {  	s8 =	simm.s32 $0x4;
	s24 =	sadd.s32 $0x4600, s10;
	[dreg:$0x6] =	wrdreg s23  }
.Ltmp0:
0x10: {  	s25 =	sadd.s32 $0x4E00, s10;
	[dreg:$0x7] =	wrdreg s24;
	(pc) =	sbr.rel .LBB2_1-.Ltmp0, $4  }
0x11: {  	s9 =	simm.s32 $0x5;
	s26 =	sadd.s32 $0x5600, s10;
	[dreg:$0x8] =	wrdreg s25  }
0x12: {  	s29 =	sadd.s32 $0x5E00, s10;
	s0 =	simm.s32 $0xEEA0;
	[dreg:$0x9] =	wrdreg s26  }
0x13: {  	s10 =	simm.s32 $0x6;
	s22 =	simm.s32 $0x9;
	[dreg:$0xa] =	wrdreg s29  }
0x14: {  	v0 =	vimm.s32 $0x0;
	s25 =	simm.s32 $0x12EA0;
	s24 =	simm.s32 $0x152A0;
	s26 =	simm.s32 $0x0  }
.LBB2_28:
0x15: {  	s1 =	simm.s32 $0xA  }
0x16: {  	_ =	swait.ge [sflag:s1], $0x400  }
0x17: {  	[sflag:s1] =	ssyncset.done $0x0  }
0x18: {  	[sflag:s1] =	ssyncadd.s32 $0xFFFFFC00  }
0x19: {  	_ =	swait.ge [sflag:s14], $0x400  }
0x1a: {  	[sflag:s14] =	ssyncset.done $0x0  }
0x1b: {  	[sflag:s14] =	ssyncadd.s32 $0xFFFFFC00  }
0x1c: {  	_ =	swait.ge [sflag:s8], $0x1000  }
0x1d: {  	[sflag:s8] =	ssyncset.done $0x0  }
0x1e: {  	[sflag:s8] =	ssyncadd.s32 $0xFFFFF000  }
0x1f: {  	_ =	swait.ge [sflag:s9], $0x4000  }
0x20: {  	s26 =	sadd.s32 $0x1, s26;
	s31 =	rddreg [dreg:$0xb]  }
0x21: {  	p0 =	sne.s32 s26, s31  }
.Ltmp1:
0x22: {  	_ = 	snop;
	(pc) =	sbr.rel @!p0 .LBB2_29-.Ltmp1, $3  }
0x23: {  	_ =	sdelay $0x1  }
0x24: {  	[sflag:s9] =	ssyncset.done $0x0  }
0x25: {  	[sflag:s9] =	ssyncadd.s32 $0xFFFFC000  }
.LBB2_1:
0x26: {  	s1 =	rddreg [dreg:$0x4];
	s29 =	simm.s32 $0xC  }
0x27: {  	[tilespmem:s2], [sflag:$0xC] =	stream.linear.gather [hbm4b:s1+s2], $0x20, $0x38;
	[tilespmem:$0x156A0] =	vst v63  }
0x28: {  	_ =	swait.ge [sflag:s29], $0x20  }
0x29: {  	[sflag:s29] =	ssyncset.done $0x0  }
0x2a: {  	s31 =	simm.s32 $0x20;
	[sflag:s29] =	ssyncadd.s32 $0xFFFFFFE0  }
0x2b: {  	[tilespmem:s31], [sflag:$0x1] =	stream.indirect.gather [hbm4b:s3+s31], $0x10, s2, s31, $0xb8;
	[tilespmem:$0x156A0] =	vst v63  }
0x2c: {  	_ =	swait.ge [sflag:s20], $0x200  }
0x2d: {  	[sflag:s20] =	ssyncset.done $0x0  }
0x2e: {  	[sflag:s20] =	ssyncadd.s32 $0xFFFFFE00  }
0x2f: {  	[tilespmem:$0x440] =	vst v0  }
0x30: {  	v1 =	vld [tilespmem:$0x0];
	[tilespmem:$0x450] =	vst v0  }
0x31: {  	v2 =	vld [tilespmem:$0x10];
	[tilespmem:$0x460] =	vst v0  }
0x32: {  	[tilespmem:$0x470] =	vst v0  }
0x33: {  	[tilespmem:$0x480] =	vst v0  }
0x34: {  	[tilespmem:$0x490] =	vst v0  }
0x35: {  	[tilespmem:$0x220] =	vst v1  }
0x36: {  	s19 =	simm.s32 $0x0;
	[tilespmem:$0x230] =	vst v2  }
0x37: {  	s18 =	simm.s32 $0x80;
	v1 =	vld [tilespmem:s19+$0x20]  }
0x38: {  	s18 =	sand.u32 $0xE00, s18  }
0x39: {  	s1 =	sand.u32 $0x70, s31;
	s23 =	sshrl.u32 s18, $0x2  }
0x3a: {  	s18 =	simm.s32 $0x30;
	s1 =	sor.u32 s1, s23;
	s19 =	simm.s32 $0x40  }
.LBB2_2:
0x3b: {  	s23 =	sshra.s32 s19, $0x2  }
0x3c: {  	p0 =	sne.s32 s18, $0x210;
	[tilespmem:s1+$0x220] =	vst v1;
	s1 =	smov.u32 s18;
	s18 =	sadd.s32 $0x10, s18  }
.Ltmp2:
0x3d: {  	v1 =	vld [tilespmem:s23+$0x20];
	(pc) =	sbr.rel @p0 .LBB2_2-.Ltmp2, $4  }
0x3e: {  	s23 =	sadd.s32 $0x80, s19  }
0x3f: {  	s23 =	sand.u32 $0xE00, s23  }
0x40: {  	s1 =	sand.u32 $0x70, s1;
	s23 =	sshrl.u32 s23, $0x2  }
0x41: {  	s19 =	sadd.s32 $0x40, s19;
	s1 =	sor.u32 s1, s23  }
0x42: {  	[tilespmem:s1+$0x220] =	vst v1;
	s4 =	simm.s32 $0x220;
	s18 =	simm.s32 $0x4A0  }
0x43: {  	[tilespmem:s18], [sflag:$0x1] =	stream.indirect.gather [hbm4b:s3+s21], $0x10, s4, s21, $0xb8;
	[tilespmem:$0x156A0] =	vst v63  }
0x44: {  	s19 =	simm.s32 $0xCA0;
	s18 =	simm.s32 $0x2A0  }
0x45: {  	[tilespmem:s19], [sflag:$0x1] =	stream.indirect.gather [hbm4b:s3+s21], $0x10, s18, s21, $0xb8;
	[tilespmem:$0x156A0] =	vst v63  }
0x46: {  	s23 =	simm.s32 $0x320;
	s19 =	simm.s32 $0x14A0  }
0x47: {  	[tilespmem:s19], [sflag:$0x1] =	stream.indirect.gather [hbm4b:s3+s21], $0x10, s23, s21, $0xb8;
	[tilespmem:$0x156A0] =	vst v63  }
0x48: {  	s29 =	simm.s32 $0x3A0;
	s31 =	simm.s32 $0x1CA0  }
0x49: {  	[tilespmem:s31], [sflag:$0x1] =	stream.indirect.gather [hbm4b:s3+s21], $0x10, s29, s21, $0xb8;
	[tilespmem:$0x156A0] =	vst v63  }
0x4a: {  	s19 =	simm.s32 $0x420;
	s23 =	simm.s32 $0x24A0  }
0x4b: {  	[tilespmem:s23], [sflag:$0x1] =	stream.indirect.gather [hbm4b:s3+s21], $0x10, s19, s21, $0xb8;
	[tilespmem:$0x156A0] =	vst v63  }
0x4c: {  	s29 =	rddreg [dreg:$0x2];
	s31 =	simm.s32 $0x4EA0  }
0x4d: {  	[tilespmem:s31], [sflag:$0x2] =	stream.indirect.gather [hbm4b:s29+s21], $0x80, s4, s21, $0xb8;
	[tilespmem:$0x156A0] =	vst v63  }
0x4e: {  	s19 =	simm.s32 $0x8EA0  }
0x4f: {  	[tilespmem:s19], [sflag:$0x3] =	stream.indirect.gather [hbm4b:s29+s21], $0x80, s18, s21, $0xb8;
	[tilespmem:$0x156A0] =	vst v63  }
0x50: {  	_ =	swait.ge [sflag:s20], $0x800  }
0x51: {  	[sflag:s20] =	ssyncset.done $0x0  }
0x52: {  	[sflag:s20] =	ssyncadd.s32 $0xFFFFF800  }
0x53: {  	_ =	swait.ge [sflag:s20], $0x800  }
0x54: {  	[sflag:s20] =	ssyncset.done $0x0  }
0x55: {  	[sflag:s20] =	ssyncadd.s32 $0xFFFFF800  }
0x56: {  	_ =	swait.ge [sflag:s20], $0x800  }
0x57: {  	[sflag:s20] =	ssyncset.done $0x0  }
0x58: {  	[sflag:s20] =	ssyncadd.s32 $0xFFFFF800  }
0x59: {  	_ =	swait.ge [sflag:s20], $0x800  }
0x5a: {  	[sflag:s20] =	ssyncset.done $0x0  }
0x5b: {  	[sflag:s20] =	ssyncadd.s32 $0xFFFFF800  }
0x5c: {  	_ =	swait.ge [sflag:s20], $0x800  }
0x5d: {  	[sflag:s20] =	ssyncset.done $0x0  }
0x5e: {  	s31 =	simm.s32 $0x0;
	[sflag:s20] =	ssyncadd.s32 $0xFFFFF800  }
0x5f: {  	s23 =	simm.s32 $0x0;
	v1 =	vld [tilespmem:s31+$0x4A0]  }
0x60: {  	s29 =	sand.u32 $0xFE00, s23  }
0x61: {  	s1 =	sand.u32 $0x70, s23;
	s23 =	sshrl.u32 s29, $0x2  }
0x62: {  	s18 =	simm.s32 $0x10;
	s19 =	simm.s32 $0x40;
	s1 =	sor.u32 s1, s23  }
.LBB2_4:
0x63: {  	s23 =	sshra.s32 s19, $0x2  }
0x64: {  	p0 =	sne.s32 s18, $0x21F0;
	[tilespmem:s1+$0x2CA0] =	vst v1;
	s1 =	smov.u32 s18;
	s18 =	sadd.s32 $0x10, s18  }
.Ltmp3:
0x65: {  	v1 =	vld [tilespmem:s23+$0x4A0];
	(pc) =	sbr.rel @p0 .LBB2_4-.Ltmp3, $4  }
0x66: {  	_ = 	snop  }
0x67: {  	s23 =	sand.u32 $0xFE00, s19  }
0x68: {  	s1 =	sand.u32 $0x70, s1;
	s23 =	sshrl.u32 s23, $0x2  }
0x69: {  	s19 =	sadd.s32 $0x40, s19;
	s1 =	sor.u32 s1, s23  }
0x6a: {  	[tilespmem:s1+$0x2CA0] =	vst v1;
	s18 =	simm.s32 $0x2CA0;
	s4 =	simm.s32 $0xCEA0  }
0x6b: {  	[tilespmem:s4], [sflag:$0x6] =	stream.indirect.gather [hbm4b:s5+s21], $0x40, s18, s21, $0xb8;
	[tilespmem:$0x156A0] =	vst v63  }
0x6c: {  	s19 =	simm.s32 $0x2D20  }
0x6d: {  	[tilespmem:s0], [sflag:$0x7] =	stream.indirect.gather [hbm4b:s5+s21], $0x40, s19, s21, $0xb8;
	[tilespmem:$0x156A0] =	vst v63  }
0x6e: {  	s23 =	simm.s32 $0x2DA0;
	s31 =	simm.s32 $0x10EA0  }
0x6f: {  	[tilespmem:s31], [sflag:$0x8] =	stream.indirect.gather [hbm4b:s5+s21], $0x40, s23, s21, $0xb8;
	[tilespmem:$0x156A0] =	vst v63  }
0x70: {  	s18 =	simm.s32 $0x2E20  }
0x71: {  	[tilespmem:s25], [sflag:$0x9] =	stream.indirect.gather [hbm4b:s5+s21], $0x40, s18, s21, $0xb8;
	[tilespmem:$0x156A0] =	vst v63  }
0x72: {  	_ =	swait.ge [sflag:s28], $0x4000  }
0x73: {  	s29 =	simm.s32 $0x0;
	[sflag:s28] =	ssyncset.done $0x0  }
0x74: {  	s18 =	simm.s32 $0x4EA0;
	s19 =	rddreg [dreg:$0x5];
	[sflag:s28] =	ssyncadd.s32 $0xFFFFC000  }
0x75: {  	[hbm4b:s19+s29] =	stream.linear.scatter [tilespmem:s18], [sflag:$0x4], $0x1000, $0x38;
	[tilespmem:$0x156A0] =	vst v63  }
0x76: {  	s31 =	simm.s32 $0x5EA0;
	s23 =	rddreg [dreg:$0x6]  }
0x77: {  	[hbm4b:s23+s29] =	stream.linear.scatter [tilespmem:s31], [sflag:$0x4], $0x3000, $0x38;
	[tilespmem:$0x156A0] =	vst v63  }
0x78: {  	_ =	swait.ge [sflag:s30], $0x4000  }
0x79: {  	[sflag:s30] =	ssyncset.done $0x0  }
0x7a: {  	s19 =	simm.s32 $0x8EA0;
	s4 =	rddreg [dreg:$0x7];
	[sflag:s30] =	ssyncadd.s32 $0xFFFFC000  }
0x7b: {  	[hbm4b:s4+s29] =	stream.linear.scatter [tilespmem:s19], [sflag:$0x5], $0x4000, $0x38;
	[tilespmem:$0x156A0] =	vst v63  }
0x7c: {  	_ =	swait.ge [sflag:s8], $0x4000  }
0x7d: {  	[sflag:s8] =	ssyncset.done $0x0  }
0x7e: {  	[sflag:s8] =	ssyncadd.s32 $0xFFFFC000  }
0x7f: {  	s23 =	simm.s32 $0x320;
	s1 =	rddreg [dreg:$0x2]  }
0x80: {  	[tilespmem:s18], [sflag:$0x2] =	stream.indirect.gather [hbm4b:s1+s21], $0x80, s23, s21, $0xb8;
	[tilespmem:$0x156A0] =	vst v63  }
0x81: {  	_ =	swait.ge [sflag:s28], $0x4000  }
0x82: {  	[sflag:s28] =	ssyncset.done $0x0  }
0x83: {  	s31 =	rddreg [dreg:$0x8];
	[sflag:s28] =	ssyncadd.s32 $0xFFFFC000  }
0x84: {  	[hbm4b:s31+s29] =	stream.linear.scatter [tilespmem:s18], [sflag:$0x4], $0x4000, $0x38;
	[tilespmem:$0x156A0] =	vst v63  }
0x85: {  	_ =	swait.ge [sflag:s9], $0x4000  }
0x86: {  	[sflag:s9] =	ssyncset.done $0x0  }
0x87: {  	s23 =	simm.s32 $0x3A0;
	[sflag:s9] =	ssyncadd.s32 $0xFFFFC000  }
0x88: {  	[tilespmem:s19], [sflag:$0x3] =	stream.indirect.gather [hbm4b:s1+s21], $0x80, s23, s21, $0xb8;
	[tilespmem:$0x156A0] =	vst v63  }
0x89: {  	_ =	swait.ge [sflag:s30], $0x4000  }
0x8a: {  	[sflag:s30] =	ssyncset.done $0x0  }
0x8b: {  	s31 =	rddreg [dreg:$0x9];
	[sflag:s30] =	ssyncadd.s32 $0xFFFFC000  }
0x8c: {  	[hbm4b:s31+s29] =	stream.linear.scatter [tilespmem:s19], [sflag:$0x5], $0x4000, $0x38;
	[tilespmem:$0x156A0] =	vst v63  }
0x8d: {  	_ =	swait.ge [sflag:s8], $0x4000  }
0x8e: {  	[sflag:s8] =	ssyncset.done $0x0  }
0x8f: {  	s23 =	simm.s32 $0x420;
	[sflag:s8] =	ssyncadd.s32 $0xFFFFC000  }
0x90: {  	[tilespmem:s18], [sflag:$0x2] =	stream.indirect.gather [hbm4b:s1+s21], $0x80, s23, s21, $0xb8;
	[tilespmem:$0x156A0] =	vst v63  }
0x91: {  	_ =	swait.ge [sflag:s28], $0x4000  }
0x92: {  	[sflag:s28] =	ssyncset.done $0x0  }
0x93: {  	s31 =	rddreg [dreg:$0xa];
	[sflag:s28] =	ssyncadd.s32 $0xFFFFC000  }
0x94: {  	[hbm4b:s31+s29] =	stream.linear.scatter [tilespmem:s18], [sflag:$0x4], $0x1000, $0x38;
	[tilespmem:$0x156A0] =	vst v63  }
.LBB2_6:
0x95: {  	_ =	swait.ge [sflag:s10], $0x2000  }
0x96: {  	p0 =	seq.s32 s29, $0x0;
	[sflag:s10] =	ssyncset.done $0x0  }
0x97: {  	s1 =	simm.s32 @!p0 $0xA;
	[sflag:s10] =	ssyncadd.s32 $0xFFFFE000  }
0x98: {  	_ =	swait.ge @!p0 [sflag:s1], $0x400  }
0x99: {  	[sflag:s1] =	ssyncset.done @!p0 $0x0  }
0x9a: {  	s19 =	simm.s32 $0xCEE0;
	s18 =	simm.s32 $0x0;
	[sflag:s1] =	ssyncadd.s32 @!p0 $0xFFFFFC00  }
.LBB2_7:
0x9b: {  	s1 =	sshll.u32 s18, $0xC  }
0x9c: {  	v6 =	vmov s19;
	s1 =	sshra.s32 s1, $0x2  }
0x9d: {  	v5 =	vld [tilespmem:s1+$0xCEA0]  }
0x9e: {  	v4 =	vld [tilespmem:s1+$0xCEB0]  }
0x9f: {  	v2 =	vld [tilespmem:s1+$0xCEC0]  }
0xa0: {  	s31 =	simm.s32 $0x0;
	v1 =	vld [tilespmem:s1+$0xCED0]  }
0xa1: {  	v3 =	vld.idx.msk [tilespmem:v6+s31+$0x30 ss:$0x1], $0xffff  }
0xa2: {  	v9 =	vld.idx.msk [tilespmem:v6+s31+$0x0 ss:$0x1], $0xffff  }
0xa3: {  	v7 =	vld.idx.msk [tilespmem:v6+s31+$0x10 ss:$0x1], $0xffff  }
0xa4: {  	s23 =	simm.s32 $0x100;
	v8 =	vld.idx.msk [tilespmem:v6+s31+$0x20 ss:$0x1], $0xffff  }
.LBB2_8:
0xa5: {  	p1 =	sne.s32 s23, $0xE00  }
.Ltmp4:
0xa6: {  	s1 =	sshra.s32 s23, $0x2;
	s23 =	sadd.s32 $0x100, s23;
	(pc) =	sbr.rel @p1 .LBB2_8-.Ltmp4, $4  }
0xa7: {  	v1 =	vmax.bf16 v1, v3;
	v3 =	vld.idx.msk [tilespmem:v6+s1+$0x30 ss:$0x1], $0xffff  }
0xa8: {  	v5 =	vmax.bf16 v5, v9;
	v9 =	vld.idx.msk [tilespmem:v6+s1+$0x0 ss:$0x1], $0xffff  }
0xa9: {  	v4 =	vmax.bf16 v4, v7;
	v7 =	vld.idx.msk [tilespmem:v6+s1+$0x10 ss:$0x1], $0xffff  }
0xaa: {  	v2 =	vmax.bf16 v2, v8;
	v8 =	vld.idx.msk [tilespmem:v6+s1+$0x20 ss:$0x1], $0xffff  }
0xab: {  	s1 =	sshll.u32 s18, $0x6;
	s18 =	sadd.s32 $0x1, s18  }
0xac: {  	p1 =	sne.s32 s18, $0x8  }
.Ltmp5:
0xad: {  	s1 =	sand.u32 $0x3FFFFFC0, s1;
	v1 =	vmax.bf16 v1, v3;
	(pc) =	sbr.rel @p1 .LBB2_7-.Ltmp5, $4  }
0xae: {  	v5 =	vmax.bf16 v5, v9;
	[tilespmem:s1+$0x14ED0] =	vst v1  }
0xaf: {  	v4 =	vmax.bf16 v4, v7;
	[tilespmem:s1+$0x14EA0] =	vst v5  }
0xb0: {  	v2 =	vmax.bf16 v2, v8;
	[tilespmem:s1+$0x14EB0] =	vst v4  }
0xb1: {  	s19 =	sadd.s32 $0x400, s19;
	[tilespmem:s1+$0x14EC0] =	vst v2  }
0xb2: {  	p1 =	seq.s32 s29, $0x10  }
0xb3: {  	s1 =	sshll.u32 @!p1 s29, $0x9  }
0xb4: {  	s31 =	sand.u32 @!p1 $0x3FFFFE00, s1  }
0xb5: {  	s18 =	simm.s32 @!p1 $0x80;
	s19 =	simm.s32 @!p1 $0xCEA0;
	s1 =	sadd.s32 @!p1 $0x2EA0, s31  }
0xb6: {  	[tilespmem:s19], [sflag:$0x6] =	stream.indirect.gather @!p1 [hbm4b:s5+s18], $0x40, s1, s18, $0xb8;
	[tilespmem:$0x156A0] =	vst v63  }
0xb7: {  	_ =	swait.ge [sflag:s11], $0x2000  }
0xb8: {  	[sflag:s11] =	ssyncset.done $0x0  }
0xb9: {  	s19 =	simm.s32 $0x0;
	s18 =	simm.s32 $0xEEE0;
	[sflag:s11] =	ssyncadd.s32 $0xFFFFE000  }
.LBB2_11:
0xba: {  	s1 =	sshll.u32 s19, $0xC  }
0xbb: {  	v6 =	vmov s18;
	s1 =	sshra.s32 s1, $0x2  }
0xbc: {  	v5 =	vld [tilespmem:s1+$0xEEA0]  }
0xbd: {  	v4 =	vld [tilespmem:s1+$0xEEB0]  }
0xbe: {  	v2 =	vld [tilespmem:s1+$0xEEC0]  }
0xbf: {  	s4 =	simm.s32 $0x0;
	v1 =	vld [tilespmem:s1+$0xEED0]  }
0xc0: {  	v3 =	vld.idx.msk [tilespmem:v6+s4+$0x30 ss:$0x1], $0xffff  }
0xc1: {  	v9 =	vld.idx.msk [tilespmem:v6+s4+$0x0 ss:$0x1], $0xffff  }
0xc2: {  	v7 =	vld.idx.msk [tilespmem:v6+s4+$0x10 ss:$0x1], $0xffff  }
0xc3: {  	s23 =	simm.s32 $0x100;
	v8 =	vld.idx.msk [tilespmem:v6+s4+$0x20 ss:$0x1], $0xffff  }
.LBB2_12:
0xc4: {  	p2 =	sne.s32 s23, $0xE00  }
.Ltmp6:
0xc5: {  	s1 =	sshra.s32 s23, $0x2;
	s23 =	sadd.s32 $0x100, s23;
	(pc) =	sbr.rel @p2 .LBB2_12-.Ltmp6, $4  }
0xc6: {  	v1 =	vmax.bf16 v1, v3;
	v3 =	vld.idx.msk [tilespmem:v6+s1+$0x30 ss:$0x1], $0xffff  }
0xc7: {  	v5 =	vmax.bf16 v5, v9;
	v9 =	vld.idx.msk [tilespmem:v6+s1+$0x0 ss:$0x1], $0xffff  }
0xc8: {  	v4 =	vmax.bf16 v4, v7;
	v7 =	vld.idx.msk [tilespmem:v6+s1+$0x10 ss:$0x1], $0xffff  }
0xc9: {  	v2 =	vmax.bf16 v2, v8;
	v8 =	vld.idx.msk [tilespmem:v6+s1+$0x20 ss:$0x1], $0xffff  }
0xca: {  	s1 =	sshll.u32 s19, $0x6;
	s19 =	sadd.s32 $0x1, s19  }
0xcb: {  	p2 =	sne.s32 s19, $0x8  }
.Ltmp7:
0xcc: {  	s1 =	sand.u32 $0x3FFFFFC0, s1;
	v1 =	vmax.bf16 v1, v3;
	(pc) =	sbr.rel @p2 .LBB2_11-.Ltmp7, $4  }
0xcd: {  	v5 =	vmax.bf16 v5, v9;
	[tilespmem:s1+$0x150D0] =	vst v1  }
0xce: {  	v4 =	vmax.bf16 v4, v7;
	[tilespmem:s1+$0x150A0] =	vst v5  }
0xcf: {  	v2 =	vmax.bf16 v2, v8;
	[tilespmem:s1+$0x150B0] =	vst v4  }
0xd0: {  	s18 =	sadd.s32 $0x400, s18;
	[tilespmem:s1+$0x150C0] =	vst v2  }
0xd1: {  	s19 =	sshll.u32 s29, $0x5  }
0xd2: {  	p2 =	sne.s32 s29, $0x10;
	s1 =	sadd.s32 s19, s15  }
.Ltmp8:
0xd3: {  	s1 =	smov.u32 @p0 s7;
	(pc) =	sbr.rel @p2 .LBB2_16-.Ltmp8, $4  }
0xd4: {  	s1 =	sshll.u32 s1, $0x3  }
0xd5: {  	s1 =	sand.u32 $0xFFFFF00, s1  }
0xd6: {  	s1 =	sadd.s32 s6, s1  }
0xd7: {  	[hbm4b:s1+s2] =	stream.linear.scatter [tilespmem:s12], [sflag:$0xA], $0x400, $0x38;
	[tilespmem:$0x156A0] =	vst v63  }
.Ltmp9:
0xd8: {  	(pc) =	sbr.rel .LBB2_17-.Ltmp9, $4  }
0xd9: {  	_ = 	snop  }
0xda: {  	_ =	swait.ge [sflag:s13], $0x2000  }
0xdb: {  	[sflag:s13] =	ssyncset.done $0x0  }
0xdc: {  	[sflag:s13] =	ssyncadd.s32 $0xFFFFE000  }
.LBB2_16:
0xdd: {  	s1 =	sshll.u32 s29, $0x9  }
0xde: {  	s1 =	sand.u32 $0x3FFFFE00, s1  }
.Ltmp10:
0xdf: {  	s1 =	sadd.s32 $0x2F20, s1;
	(pc) =	sbr.rel @p0 .LBB2_18-.Ltmp10, $4  }
0xe0: {  	[tilespmem:s0], [sflag:$0x7] =	stream.indirect.gather [hbm4b:s5+s21], $0x40, s1, s21, $0xb8;
	[tilespmem:$0x156A0] =	vst v63  }
0xe1: {  	_ =	swait.ge [sflag:s13], $0x2000  }
0xe2: {  	[sflag:s13] =	ssyncset.done $0x0  }
0xe3: {  	[sflag:s13] =	ssyncadd.s32 $0xFFFFE000  }
.LBB2_17:
0xe4: {  	_ =	swait.ge [sflag:s14], $0x400  }
0xe5: {  	[sflag:s14] =	ssyncset.done $0x0  }
0xe6: {  	[sflag:s14] =	ssyncadd.s32 $0xFFFFFC00  }
.LBB2_18:
0xe7: {  	s18 =	simm.s32 $0x0;
	s23 =	simm.s32 $0x10EE0  }
.LBB2_19:
0xe8: {  	s1 =	sshll.u32 s18, $0xC  }
0xe9: {  	v6 =	vmov s23;
	s1 =	sshra.s32 s1, $0x2  }
0xea: {  	v5 =	vld [tilespmem:s1+$0x10EA0]  }
0xeb: {  	v4 =	vld [tilespmem:s1+$0x10EB0]  }
0xec: {  	v2 =	vld [tilespmem:s1+$0x10EC0]  }
0xed: {  	s4 =	simm.s32 $0x0;
	v1 =	vld [tilespmem:s1+$0x10ED0]  }
0xee: {  	v3 =	vld.idx.msk [tilespmem:v6+s4+$0x30 ss:$0x1], $0xffff  }
0xef: {  	v9 =	vld.idx.msk [tilespmem:v6+s4+$0x0 ss:$0x1], $0xffff  }
0xf0: {  	v7 =	vld.idx.msk [tilespmem:v6+s4+$0x10 ss:$0x1], $0xffff  }
0xf1: {  	s1 =	simm.s32 $0x100;
	v8 =	vld.idx.msk [tilespmem:v6+s4+$0x20 ss:$0x1], $0xffff  }
.LBB2_20:
0xf2: {  	p2 =	sne.s32 s1, $0xE00  }
.Ltmp11:
0xf3: {  	s4 =	sshra.s32 s1, $0x2;
	s1 =	sadd.s32 $0x100, s1;
	(pc) =	sbr.rel @p2 .LBB2_20-.Ltmp11, $4  }
0xf4: {  	v1 =	vmax.bf16 v1, v3;
	v3 =	vld.idx.msk [tilespmem:v6+s4+$0x30 ss:$0x1], $0xffff  }
0xf5: {  	v5 =	vmax.bf16 v5, v9;
	v9 =	vld.idx.msk [tilespmem:v6+s4+$0x0 ss:$0x1], $0xffff  }
0xf6: {  	v4 =	vmax.bf16 v4, v7;
	v7 =	vld.idx.msk [tilespmem:v6+s4+$0x10 ss:$0x1], $0xffff  }
0xf7: {  	v2 =	vmax.bf16 v2, v8;
	v8 =	vld.idx.msk [tilespmem:v6+s4+$0x20 ss:$0x1], $0xffff  }
0xf8: {  	s1 =	sshll.u32 s18, $0x6;
	s18 =	sadd.s32 $0x1, s18  }
0xf9: {  	p2 =	sne.s32 s18, $0x8  }
.Ltmp12:
0xfa: {  	s1 =	sand.u32 $0x3FFFFFC0, s1;
	v1 =	vmax.bf16 v1, v3;
	(pc) =	sbr.rel @p2 .LBB2_19-.Ltmp12, $4  }
0xfb: {  	v5 =	vmax.bf16 v5, v9;
	[tilespmem:s1+$0x152D0] =	vst v1  }
0xfc: {  	v4 =	vmax.bf16 v4, v7;
	[tilespmem:s1+$0x152A0] =	vst v5  }
0xfd: {  	v2 =	vmax.bf16 v2, v8;
	[tilespmem:s1+$0x152B0] =	vst v4  }
0xfe: {  	s23 =	sadd.s32 $0x400, s23;
	[tilespmem:s1+$0x152C0] =	vst v2  }
0xff: {  	s1 =	sadd.s32 @!p1 $0x2FA0, s31;
	s4 =	simm.s32 @!p1 $0x80;
	s18 =	simm.s32 @!p1 $0x10EA0  }
0x100: {  	[tilespmem:s18], [sflag:$0x8] =	stream.indirect.gather @!p1 [hbm4b:s5+s4], $0x40, s1, s4, $0xb8;
	[tilespmem:$0x156A0] =	vst v63  }
0x101: {  	_ =	swait.ge [sflag:s22], $0x2000  }
0x102: {  	[sflag:s22] =	ssyncset.done $0x0  }
0x103: {  	s23 =	simm.s32 $0x12EE0;
	s18 =	simm.s32 $0x0;
	[sflag:s22] =	ssyncadd.s32 $0xFFFFE000  }
.LBB2_23:
0x104: {  	s1 =	sshll.u32 s18, $0xC  }
0x105: {  	v6 =	vmov s23;
	s1 =	sshra.s32 s1, $0x2  }
0x106: {  	v5 =	vld [tilespmem:s1+$0x12EA0]  }
0x107: {  	v4 =	vld [tilespmem:s1+$0x12EB0]  }
0x108: {  	v2 =	vld [tilespmem:s1+$0x12EC0]  }
0x109: {  	s4 =	simm.s32 $0x0;
	v1 =	vld [tilespmem:s1+$0x12ED0]  }
0x10a: {  	v3 =	vld.idx.msk [tilespmem:v6+s4+$0x30 ss:$0x1], $0xffff  }
0x10b: {  	v9 =	vld.idx.msk [tilespmem:v6+s4+$0x0 ss:$0x1], $0xffff  }
0x10c: {  	v7 =	vld.idx.msk [tilespmem:v6+s4+$0x10 ss:$0x1], $0xffff  }
0x10d: {  	s1 =	simm.s32 $0x100;
	v8 =	vld.idx.msk [tilespmem:v6+s4+$0x20 ss:$0x1], $0xffff  }
.LBB2_24:
0x10e: {  	p2 =	sne.s32 s1, $0xE00  }
.Ltmp13:
0x10f: {  	s4 =	sshra.s32 s1, $0x2;
	s1 =	sadd.s32 $0x100, s1;
	(pc) =	sbr.rel @p2 .LBB2_24-.Ltmp13, $4  }
0x110: {  	v1 =	vmax.bf16 v1, v3;
	v3 =	vld.idx.msk [tilespmem:v6+s4+$0x30 ss:$0x1], $0xffff  }
0x111: {  	v5 =	vmax.bf16 v5, v9;
	v9 =	vld.idx.msk [tilespmem:v6+s4+$0x0 ss:$0x1], $0xffff  }
0x112: {  	v4 =	vmax.bf16 v4, v7;
	v7 =	vld.idx.msk [tilespmem:v6+s4+$0x10 ss:$0x1], $0xffff  }
0x113: {  	v2 =	vmax.bf16 v2, v8;
	v8 =	vld.idx.msk [tilespmem:v6+s4+$0x20 ss:$0x1], $0xffff  }
0x114: {  	s1 =	sshll.u32 s18, $0x6;
	s18 =	sadd.s32 $0x1, s18  }
0x115: {  	p2 =	sne.s32 s18, $0x8  }
.Ltmp14:
0x116: {  	s1 =	sand.u32 $0x3FFFFFC0, s1;
	v1 =	vmax.bf16 v1, v3;
	(pc) =	sbr.rel @p2 .LBB2_23-.Ltmp14, $4  }
0x117: {  	v5 =	vmax.bf16 v5, v9;
	[tilespmem:s1+$0x154D0] =	vst v1  }
0x118: {  	v4 =	vmax.bf16 v4, v7;
	[tilespmem:s1+$0x154A0] =	vst v5  }
0x119: {  	v2 =	vmax.bf16 v2, v8;
	[tilespmem:s1+$0x154B0] =	vst v4  }
0x11a: {  	s23 =	sadd.s32 $0x400, s23;
	[tilespmem:s1+$0x154C0] =	vst v2  }
0x11b: {  	s1 =	sadd.s32 s19, s17  }
.Ltmp15:
0x11c: {  	s1 =	smov.u32 @p0 s16;
	(pc) =	sbr.rel @p1 .LBB2_28-.Ltmp15, $4  }
0x11d: {  	s1 =	sshll.u32 s1, $0x3  }
0x11e: {  	s1 =	sand.u32 $0xFFFFF80, s1  }
0x11f: {  	s1 =	sadd.s32 s6, s1  }
0x120: {  	[hbm4b:s1+s2] =	stream.linear.scatter [tilespmem:s24], [sflag:$0xB], $0x400, $0x38;
	[tilespmem:$0x156A0] =	vst v63  }
.Ltmp16:
0x121: {  	(pc) =	sbr.rel .LBB2_6-.Ltmp16, $4  }
0x122: {  	s1 =	sshll.u32 s29, $0x9  }
0x123: {  	s1 =	sand.u32 $0x3FFFFE00, s1  }
0x124: {  	s29 =	sadd.s32 $0x1, s29;
	s1 =	sadd.s32 $0x3020, s1  }
0x125: {  	[tilespmem:s25], [sflag:$0x9] =	stream.indirect.gather [hbm4b:s5+s21], $0x40, s1, s21, $0xb8;
	[tilespmem:$0x156A0] =	vst v63  }
.LBB2_29:
0x126: {  	_ =	sfence.sel $0x180000  }
0x127: {  	[bflag:$0x0] =	sbarrier.arrive $0xFFFF  }
0x128: {  	_ =	strace $0x90000047  }
0x129: {  	s0 =	stileid.u32;
	[bflag:$0x2] =	sbarrier.arrive $0xFFFF  }
0x12a: {  	p0 =	sne.s32 s0, $0x0;
	s0 =	rddreg [dreg:$0x3]  }
0x12b: {  	s0 =	sadd.s32 @!p0 $0x100000, s0  }
0x12c: {  	[sflag:s0] =	ssyncadd.tile.s32 @!p0 $0x1;
	_ =	shalt  }
.Lfunc_end2:
_tile_overlayer_lowered:
.L_overlay_start_2:
0x12d: {  	(tag) =	ssettag $0x2  }
0x12e: {  	s0 =	rddreg [dreg:$0x0];
	s2 =	stileid.u32  }
0x12f: {  	s1 =	rddreg [dreg:$0x1];
	p0 =	sne.s32 s2, $0x0  }
0x130: {  	s3 =	rddreg [dreg:$0x2];
	[bflag:$0x3] =	sbarrier.arrive $0xFFFF;
	s2 =	simm.s32 @!p0 $0x1C0C  }
0x131: {  	[timem:s3], [sflag:s2] =	dma.local @!p0 [hbm:s0], s1  }
0x132: {  	s0 =	simm.s32 @!p0 $0xC  }
0x133: {  	_ =	swait.ge @!p0 [sflag:s0], s1  }
0x134: {  	s1 =	ssub.s32 @!p0 $0x0, s1;
	[sflag:s0] =	ssyncset.done @!p0 $0x0  }
0x135: {  	[sflag:s0] =	ssyncadd.s32 @!p0 s1  }
0x136: {  	[bflag:$0x3] =	sbarrier.arrive $0xFFFF  }
0x137: {  	_ =	shalt  }

</sc_bundles>
